<compile_context>
chip_gen: v7x
topology: tpu7x:2x2x1
jax: 0.10.2.dev20260603
libtpu: 0.0.44.dev20260713+nightly
codegen_flags: <defaults>
</compile_context>

<pallas_src>
import functools

import jax
import jax.numpy as jnp
import numpy as np
from jax import lax
from jax.experimental import pallas as pl
from jax.experimental.pallas import tpu as pltpu
from jax.experimental.pallas import tpu_sc as plsc

N = 1_000_000
NPAD = 1 << 20
ROWS = NPAD // 128
K = 1024
CHUNK = 512
POOL_STOP = 256

NW = 32
SHARD = NPAD // NW
CAPW = 96
DTOT = NW * CAPW
DBUF = DTOT
INT_MIN = np.int32(-2147483648)

_f = np.float32
INV_SQRT2 = _f(0.7071067690849304)
LOG_2PI = _f(1.83787704)

_P1 = [_f(7.85386146e-05), _f(-0.000801019371), _f(0.00518832775),
       _f(-0.0268538129), _f(0.112835854), _f(-0.37612626), _f(1.12837911)]
_P2 = [_f(0.0232682), _f(-0.138703942), _f(0.368742466), _f(-0.582473278),
       _f(0.621000469), _f(-0.494451523), _f(0.340488), _f(-0.274112701),
       _f(0.563825965)]
_P3 = [_f(-10.477664), _f(12.9772), _f(-7.49551868), _f(2.92101908),
       _f(-1.01526523), _f(0.42184633), _f(-0.282076746), _f(0.564189494)]


def _horner(q, coeffs):
    acc = q * coeffs[0]
    acc = acc + coeffs[1]
    for c in coeffs[2:]:
        acc = acc * q
        acc = acc + c
    return acc


def _erfc_xla(x):
    ax = jnp.abs(x)
    w = x * x
    small = _f(1.0) - ax * _horner(w, _P1)
    q = _f(1.0) / w
    poly = jnp.where(ax < _f(2.0), _horner(q, _P2), _horner(q, _P3))
    big = (jnp.exp(-w) * (_f(1.0) / ax)) * poly
    big = jnp.where(-w < _f(-88.7228394), _f(0.0), big)
    return jnp.where(ax < _f(1.0), small, big)


def _norm_cdf_xla(e):
    h = e * INV_SQRT2
    erfc_h = _erfc_xla(h)
    qq = jnp.where(h > _f(0.0), _f(2.0) - erfc_h, erfc_h)
    l = lax.erf(h) + _f(1.0)
    r = jnp.where(jnp.abs(h) < INV_SQRT2, l, qq)
    return _f(0.5) * r


def _k1_body(loc_ref, scale_ref, keys_ref, tvec_ref):
    best = jnp.max(loc_ref[...])

    def step(i, _):
        a = loc_ref[pl.ds(i * CHUNK, CHUNK), :]
        b = scale_ref[pl.ds(i * CHUNK, CHUNK), :]
        d = a - best
        e = d / b
        s = _norm_cdf_xla(e)
        pdf = jnp.exp((e * e + LOG_2PI) * _f(-0.5))
        score = d * s + b * pdf
        sb = lax.bitcast_convert_type(score, jnp.int32)
        key = jnp.where(sb < 0, sb ^ jnp.int32(0x7FFFFFFF), sb)
        keys_ref[pl.ds(i * CHUNK, CHUNK), :] = key
        return 0

    lax.fori_loop(0, ROWS // CHUNK, step, 0)

    def bit_cond(carry):
        t, prefix, kk, pool = carry
        return (t < 32) & (pool > POOL_STOP)

    def bit_step(carry):
        t, prefix, kk, pool = carry
        b = 31 - t
        mask_hi = lax.shift_left(jnp.int32(-1), b)
        cand = prefix | lax.shift_left(jnp.int32(1), b)
        candx = cand ^ INT_MIN
        keys = keys_ref[...]
        match = (keys & mask_hi) == candx
        cnt = jnp.sum(match.astype(jnp.int32))
        take = cnt >= kk
        return (t + 1, jnp.where(take, cand, prefix),
                jnp.where(take, kk, kk - cnt),
                jnp.where(take, cnt, pool - cnt))

    _, prefix, _, _ = lax.while_loop(
        bit_cond, bit_step,
        (jnp.int32(0), jnp.int32(0), jnp.int32(K), jnp.int32(NPAD)))
    tkey = prefix ^ INT_MIN
    tvec_ref[...] = jnp.broadcast_to(tkey, (8, 128))


def _k2_body(keys_hbm, tvec_hbm, dk_hbm, di_hbm, keys_v, ck_v, ci_v, t_v):
    w = lax.axis_index("c") * 16 + lax.axis_index("s")
    base = w * SHARD
    pltpu.sync_copy(keys_hbm.at[pl.ds(base, SHARD)], keys_v)
    pltpu.sync_copy(tvec_hbm, t_v)
    iota16 = lax.iota(jnp.int32, 16)
    tv = t_v[...]

    def pfstep(i, _):
        ck_v[pl.ds(i * 16, 16)] = jnp.full((16,), INT_MIN, jnp.int32)
        ci_v[pl.ds(i * 16, 16)] = jnp.zeros((16,), jnp.int32)
        return 0

    lax.fori_loop(0, (CAPW + 16) // 16, pfstep, 0)

    def step(i, wptr):
        vs = [keys_v[pl.ds((i * 8 + t) * 16, 16)] for t in range(8)]
        ms = [v >= tv for v in vs]
        anym = ms[0]
        for t in range(1, 8):
            anym = anym | ms[t]
        acnt = jnp.sum(anym.astype(jnp.int32))

        def append(wp):
            for t in range(8):
                c_t = jnp.sum(ms[t].astype(jnp.int32))
                off = jnp.minimum(wp, CAPW)
                idxv = jnp.full((16,), base + (i * 8 + t) * 16, jnp.int32) + iota16
                plsc.store_compressed(ck_v.at[pl.ds(off, 16)], vs[t], mask=ms[t])
                plsc.store_compressed(ci_v.at[pl.ds(off, 16)], idxv, mask=ms[t])
                wp = wp + c_t
            return wp

        return lax.cond(acnt > 0, append, lambda wp: wp, wptr)

    lax.fori_loop(0, SHARD // 128, step, jnp.int32(0))

    pltpu.sync_copy(ck_v.at[pl.ds(0, CAPW)], dk_hbm.at[pl.ds(w * CAPW, CAPW)])
    pltpu.sync_copy(ci_v.at[pl.ds(0, CAPW)], di_hbm.at[pl.ds(w * CAPW, CAPW)])


def _k3_body(dk2_ref, di2_ref, dks_ref, dis_ref, out_ref):
    dk2 = dk2_ref[...]
    di2 = di2_ref[...]

    def step(j, acc):
        k0 = dks_ref[j]
        i0 = dis_ref[j]
        b0 = (k0 > dk2) | ((k0 == dk2) & (i0 < di2))
        return acc + b0.astype(jnp.int32)

    rank = lax.fori_loop(0, DTOT, step,
                         jnp.zeros((DTOT // 128, 128), jnp.int32), unroll=8)

    iota_p = lax.broadcasted_iota(jnp.int32, (1, K), 1)
    acc_out = jnp.zeros((1, K), jnp.float32)
    for c in range(DTOT // 128):
        rcol = lax.transpose(rank[c:c + 1, :], (1, 0))
        pblk = (rcol == iota_p).astype(jnp.float32)
        drow = di2[c:c + 1, :].astype(jnp.float32)
        acc_out = acc_out + jax.lax.dot_general(
            drow, pblk, (((1,), (0,)), ((), ())),
            precision=lax.Precision.HIGHEST,
            preferred_element_type=jnp.float32)
    out_ref[...] = acc_out.astype(jnp.int32)


def kernel(loc, scale):
    locp = jnp.pad(loc, (0, NPAD - N), constant_values=_f(-1e30)).reshape(ROWS, 128)
    scalep = jnp.pad(scale, (0, NPAD - N), constant_values=_f(1.0)).reshape(ROWS, 128)

    keys2d, tvec2d = pl.pallas_call(
        _k1_body,
        out_shape=[
            jax.ShapeDtypeStruct((ROWS, 128), jnp.int32),
            jax.ShapeDtypeStruct((8, 128), jnp.int32),
        ],
        in_specs=[
            pl.BlockSpec(memory_space=pltpu.VMEM),
            pl.BlockSpec(memory_space=pltpu.VMEM),
        ],
        out_specs=[
            pl.BlockSpec(memory_space=pltpu.VMEM),
            pl.BlockSpec(memory_space=pltpu.VMEM),
        ],
    )(locp, scalep)

    keys_flat = keys2d.reshape(NPAD)
    tvec16 = tvec2d.reshape(-1)[:16]

    mesh = plsc.VectorSubcoreMesh(core_axis_name="c", subcore_axis_name="s",
                                  num_cores=2)
    k2 = functools.partial(
        pl.kernel,
        mesh=mesh,
        compiler_params=pltpu.CompilerParams(needs_layout_passes=False),
        out_type=[
            jax.ShapeDtypeStruct((DBUF,), jnp.int32),
            jax.ShapeDtypeStruct((DBUF,), jnp.int32),
        ],
        scratch_types=[
            pltpu.VMEM((SHARD,), jnp.int32),
            pltpu.VMEM((CAPW + 16,), jnp.int32),
            pltpu.VMEM((CAPW + 16,), jnp.int32),
            pltpu.VMEM((16,), jnp.int32),
        ],
    )(_k2_body)
    dk, di = k2(keys_flat, tvec16)

    dk_d = dk[:DTOT]
    di_d = di[:DTOT]
    out = pl.pallas_call(
        _k3_body,
        out_shape=jax.ShapeDtypeStruct((1, K), jnp.int32),
        in_specs=[
            pl.BlockSpec(memory_space=pltpu.VMEM),
            pl.BlockSpec(memory_space=pltpu.VMEM),
            pl.BlockSpec(memory_space=pltpu.SMEM),
            pl.BlockSpec(memory_space=pltpu.SMEM),
        ],
        out_specs=pl.BlockSpec(memory_space=pltpu.VMEM),
    )(dk_d.reshape(DTOT // 128, 128), di_d.reshape(DTOT // 128, 128), dk_d, di_d)
    return out.reshape(K)

# --- scband reference (transcript-rebuilt; emitter-appended) ---
"""Pipeline reference for scband-greedy-11115375362823 (READ-ONLY COPY).

The authoritative reference and input builder live on the scoring server;
editing this copy changes nothing except your own understanding.
"""

import jax, jax.numpy as jnp
import numpy as np

ACQUISITION_SIZE = 1024


def expected_improvement(loc, scale):
    # Standard expected-improvement utility over a Normal predictive distribution.
    # best = current best predicted mean (closed over the candidate set).
    best = jnp.max(loc)
    sigma = scale
    z = (loc - best) / sigma
    cdf = jax.scipy.stats.norm.cdf(z)
    pdf = jax.scipy.stats.norm.pdf(z)
    return (loc - best) * cdf + sigma * pdf


def setup_inputs(seed: int = 0) -> dict:
    key = jax.random.key(seed)
    k1, k2 = jax.random.split(key)
    N = 1000000
    loc = jax.random.normal(k1, (N,), dtype=jnp.float32)
    # positive stddev for the predictive distribution
    scale = jax.random.uniform(k2, (N,), dtype=jnp.float32, minval=0.0, maxval=1.0) + 1e-3
    return {"loc": loc, "scale": scale}


def reference(loc, scale):
    # Greedy.forward: score = utility_function(distribution); _, idxs = torch.topk(score, acquisition_size, dim=0)
    score = expected_improvement(loc, scale)
    _, idxs = jax.lax.top_k(score, ACQUISITION_SIZE)
    return idxs

if __name__ == "__main__":
    import jax
    _d = setup_inputs()
    print(jax.jit(kernel)(*tuple(_d.values())))

</pallas_src>

<mosaic_0001>
#map = affine_map<(d0, d1) -> (0)>
module attributes {stable_mosaic.version = 14 : i64} {
  func.func @_k2_body(%arg0: i32, %arg1: i32, %arg2: memref<1048576xi32, #tpu.memory_space<hbm>>, %arg3: memref<16xi32, #tpu.memory_space<hbm>>, %arg4: memref<3072xi32, #tpu.memory_space<hbm>>, %arg5: memref<3072xi32, #tpu.memory_space<hbm>>, %arg6: memref<32768xi32, #tpu.memory_space<vmem>>, %arg7: memref<112xi32, #tpu.memory_space<vmem>>, %arg8: memref<112xi32, #tpu.memory_space<vmem>>, %arg9: memref<16xi32, #tpu.memory_space<vmem>>) attributes {dimension_semantics = [#tpu.dimension_semantics<core_parallel>, #tpu.dimension_semantics<subcore_parallel>], iteration_bounds = array<i64: 2, 16>, scalar_prefetch = 0 : i64, scratch_operands = 4 : i64, tpu.core_type = #tpu.core_type<sc_vector_subcore>, window_params = [{transform_indices = #map}, {transform_indices = #map}, {transform_indices = #map}, {transform_indices = #map}]} {
    %mul3A = arith.constant 16 : i32
    %mul3A_0 = arith.muli %arg0, %mul3A : i32
    %add3A = arith.addi %mul3A_0, %arg1 : i32
    %mul3A_1 = arith.constant 32768 : i32
    %mul3A_2 = arith.muli %add3A, %mul3A_1 : i32
    "tpu.region"() ({
      %run_scoped3A = tpu.sem_alloc : memref<!tpu.dma_semaphore, #tpu.memory_space<semaphore_mem>>
      %dma_start3A = tpu.memref_slice %arg2[%mul3A_2] : memref<1048576xi32, #tpu.memory_space<hbm>> -> memref<32768xi32, #tpu.memory_space<hbm>>
      %dma_start3A_21 = tpu.memref_slice %arg2[%mul3A_2] : memref<1048576xi32, #tpu.memory_space<hbm>> -> memref<32768xi32, #tpu.memory_space<hbm>>
      tpu.enqueue_dma source(%dma_start3A_21 : memref<32768xi32, #tpu.memory_space<hbm>>) target(%arg6 : memref<32768xi32, #tpu.memory_space<vmem>>) target_semaphore(%run_scoped3A : memref<!tpu.dma_semaphore, #tpu.memory_space<semaphore_mem>>)
      %dma_wait3A = tpu.memref_slice %arg2[%mul3A_2] : memref<1048576xi32, #tpu.memory_space<hbm>> -> memref<32768xi32, #tpu.memory_space<hbm>>
      %dma_wait3A_22 = tpu.memref_slice %arg2[%mul3A_2] : memref<1048576xi32, #tpu.memory_space<hbm>> -> memref<32768xi32, #tpu.memory_space<hbm>>
      tpu.wait_dma2 semaphore(%run_scoped3A : memref<!tpu.dma_semaphore, #tpu.memory_space<semaphore_mem>>) src(%dma_wait3A_22 : memref<32768xi32, #tpu.memory_space<hbm>>) dst(%arg6 : memref<32768xi32, #tpu.memory_space<vmem>>)
      tpu.yield
    }) : () -> ()
    "tpu.region"() ({
      %run_scoped3A = tpu.sem_alloc : memref<!tpu.dma_semaphore, #tpu.memory_space<semaphore_mem>>
      tpu.enqueue_dma source(%arg3 : memref<16xi32, #tpu.memory_space<hbm>>) target(%arg9 : memref<16xi32, #tpu.memory_space<vmem>>) target_semaphore(%run_scoped3A : memref<!tpu.dma_semaphore, #tpu.memory_space<semaphore_mem>>)
      tpu.wait_dma2 semaphore(%run_scoped3A : memref<!tpu.dma_semaphore, #tpu.memory_space<semaphore_mem>>) src(%arg3 : memref<16xi32, #tpu.memory_space<hbm>>) dst(%arg9 : memref<16xi32, #tpu.memory_space<vmem>>)
      tpu.yield
    }) : () -> ()
    %iota3A = tpu.iota {dimensions = array<i32: 0>} : vector<16xi32>
    %get3A = arith.constant 0 : index
    %get3A_3 = tpu.vector_load %arg9[%get3A] {strides = array<i32>} : memref<16xi32, #tpu.memory_space<vmem>>, vector<16xi32>,
    %scan3A = arith.constant 0 : i32
    %scan3A_4 = arith.constant 0 : i32
    %scan3A_5 = arith.constant 7 : i32
    %scan3A_6 = arith.addi %scan3A_4, %scan3A_5 : i32
    %scan3A_7 = arith.constant 1 : i32
    %scan3A_8 = scf.for %scan3A_21 = %scan3A_4 to %scan3A_6 step %scan3A_7 iter_args(%scan3A_22 = %scan3A) -> (i32)  : i32 {
      %broadcast_in_dim3A = arith.constant -2147483648 : i32
      %broadcast_in_dim3A_23 = vector.broadcast %broadcast_in_dim3A : i32 to vector<16xi32>
      %mul3A_24 = arith.constant 16 : i32
      %mul3A_25 = arith.muli %scan3A_21, %mul3A_24 : i32
      %swap3A = arith.index_cast %mul3A_25 : i32 to index
      %swap3A_26 = tpu.vector_load %arg7[%swap3A] {strides = array<i32>} : memref<112xi32, #tpu.memory_space<vmem>>, vector<16xi32>,
      tpu.vector_store %arg7[%swap3A], %broadcast_in_dim3A_23 {strides = array<i32>} : memref<112xi32, #tpu.memory_space<vmem>>, vector<16xi32>,
      %broadcast_in_dim3A_27 = arith.constant 0 : i32
      %broadcast_in_dim3A_28 = vector.broadcast %broadcast_in_dim3A_27 : i32 to vector<16xi32>
      %mul3A_29 = arith.constant 16 : i32
      %mul3A_30 = arith.muli %scan3A_21, %mul3A_29 : i32
      %swap3A_31 = arith.index_cast %mul3A_30 : i32 to index
      %swap3A_32 = tpu.vector_load %arg8[%swap3A_31] {strides = array<i32>} : memref<112xi32, #tpu.memory_space<vmem>>, vector<16xi32>,
      tpu.vector_store %arg8[%swap3A_31], %broadcast_in_dim3A_28 {strides = array<i32>} : memref<112xi32, #tpu.memory_space<vmem>>, vector<16xi32>,
      %scan3A_33 = arith.constant 0 : i32
      scf.yield %scan3A_33 : i32
    }
    %scan3A_9 = arith.constant 7 : i32
    %scan3A_10 = arith.constant 0 : i32
    %scan3A_11 = arith.constant 0 : i32
    %scan3A_12 = arith.constant 256 : i32
    %scan3A_13 = arith.addi %scan3A_11, %scan3A_12 : i32
    %scan3A_14 = arith.constant 1 : i32
    %scan3A_15 = scf.for %scan3A_21 = %scan3A_11 to %scan3A_13 step %scan3A_14 iter_args(%scan3A_22 = %scan3A_10) -> (i32)  : i32 {
      %mul3A_23 = arith.constant 8 : i32
      %mul3A_24 = arith.muli %scan3A_21, %mul3A_23 : i32
      %add3A_25 = arith.constant 0 : i32
      %add3A_26 = arith.addi %mul3A_24, %add3A_25 : i32
      %mul3A_27 = arith.constant 16 : i32
      %mul3A_28 = arith.muli %add3A_26, %mul3A_27 : i32
      %get3A_29 = arith.index_cast %mul3A_28 : i32 to index
      %get3A_30 = tpu.vector_load %arg6[%get3A_29] {strides = array<i32>} : memref<32768xi32, #tpu.memory_space<vmem>>, vector<16xi32>,
      %mul3A_31 = arith.constant 8 : i32
      %mul3A_32 = arith.muli %scan3A_21, %mul3A_31 : i32
      %add3A_33 = arith.constant 1 : i32
      %add3A_34 = arith.addi %mul3A_32, %add3A_33 : i32
      %mul3A_35 = arith.constant 16 : i32
      %mul3A_36 = arith.muli %add3A_34, %mul3A_35 : i32
      %get3A_37 = arith.index_cast %mul3A_36 : i32 to index
      %get3A_38 = tpu.vector_load %arg6[%get3A_37] {strides = array<i32>} : memref<32768xi32, #tpu.memory_space<vmem>>, vector<16xi32>,
      %mul3A_39 = arith.constant 8 : i32
      %mul3A_40 = arith.muli %scan3A_21, %mul3A_39 : i32
      %add3A_41 = arith.constant 2 : i32
      %add3A_42 = arith.addi %mul3A_40, %add3A_41 : i32
      %mul3A_43 = arith.constant 16 : i32
      %mul3A_44 = arith.muli %add3A_42, %mul3A_43 : i32
      %get3A_45 = arith.index_cast %mul3A_44 : i32 to index
      %get3A_46 = tpu.vector_load %arg6[%get3A_45] {strides = array<i32>} : memref<32768xi32, #tpu.memory_space<vmem>>, vector<16xi32>,
      %mul3A_47 = arith.constant 8 : i32
      %mul3A_48 = arith.muli %scan3A_21, %mul3A_47 : i32
      %add3A_49 = arith.constant 3 : i32
      %add3A_50 = arith.addi %mul3A_48, %add3A_49 : i32
      %mul3A_51 = arith.constant 16 : i32
      %mul3A_52 = arith.muli %add3A_50, %mul3A_51 : i32
      %get3A_53 = arith.index_cast %mul3A_52 : i32 to index
      %get3A_54 = tpu.vector_load %arg6[%get3A_53] {strides = array<i32>} : memref<32768xi32, #tpu.memory_space<vmem>>, vector<16xi32>,
      %mul3A_55 = arith.constant 8 : i32
      %mul3A_56 = arith.muli %scan3A_21, %mul3A_55 : i32
      %add3A_57 = arith.constant 4 : i32
      %add3A_58 = arith.addi %mul3A_56, %add3A_57 : i32
      %mul3A_59 = arith.constant 16 : i32
      %mul3A_60 = arith.muli %add3A_58, %mul3A_59 : i32
      %get3A_61 = arith.index_cast %mul3A_60 : i32 to index
      %get3A_62 = tpu.vector_load %arg6[%get3A_61] {strides = array<i32>} : memref<32768xi32, #tpu.memory_space<vmem>>, vector<16xi32>,
      %mul3A_63 = arith.constant 8 : i32
      %mul3A_64 = arith.muli %scan3A_21, %mul3A_63 : i32
      %add3A_65 = arith.constant 5 : i32
      %add3A_66 = arith.addi %mul3A_64, %add3A_65 : i32
      %mul3A_67 = arith.constant 16 : i32
      %mul3A_68 = arith.muli %add3A_66, %mul3A_67 : i32
      %get3A_69 = arith.index_cast %mul3A_68 : i32 to index
      %get3A_70 = tpu.vector_load %arg6[%get3A_69] {strides = array<i32>} : memref<32768xi32, #tpu.memory_space<vmem>>, vector<16xi32>,
      %mul3A_71 = arith.constant 8 : i32
      %mul3A_72 = arith.muli %scan3A_21, %mul3A_71 : i32
      %add3A_73 = arith.constant 6 : i32
      %add3A_74 = arith.addi %mul3A_72, %add3A_73 : i32
      %mul3A_75 = arith.constant 16 : i32
      %mul3A_76 = arith.muli %add3A_74, %mul3A_75 : i32
      %get3A_77 = arith.index_cast %mul3A_76 : i32 to index
      %get3A_78 = tpu.vector_load %arg6[%get3A_77] {strides = array<i32>} : memref<32768xi32, #tpu.memory_space<vmem>>, vector<16xi32>,
      %mul3A_79 = arith.constant 8 : i32
      %mul3A_80 = arith.muli %scan3A_21, %mul3A_79 : i32
      %add3A_81 = arith.constant 7 : i32
      %add3A_82 = arith.addi %mul3A_80, %add3A_81 : i32
      %mul3A_83 = arith.constant 16 : i32
      %mul3A_84 = arith.muli %add3A_82, %mul3A_83 : i32
      %get3A_85 = arith.index_cast %mul3A_84 : i32 to index
      %get3A_86 = tpu.vector_load %arg6[%get3A_85] {strides = array<i32>} : memref<32768xi32, #tpu.memory_space<vmem>>, vector<16xi32>,
      %ge3A = arith.cmpi sge, %get3A_30, %get3A_3 : vector<16xi32>
      %ge3A_87 = arith.cmpi sge, %get3A_38, %get3A_3 : vector<16xi32>
      %ge3A_88 = arith.cmpi sge, %get3A_46, %get3A_3 : vector<16xi32>
      %ge3A_89 = arith.cmpi sge, %get3A_54, %get3A_3 : vector<16xi32>
      %ge3A_90 = arith.cmpi sge, %get3A_62, %get3A_3 : vector<16xi32>
      %ge3A_91 = arith.cmpi sge, %get3A_70, %get3A_3 : vector<16xi32>
      %ge3A_92 = arith.cmpi sge, %get3A_78, %get3A_3 : vector<16xi32>
      %ge3A_93 = arith.cmpi sge, %get3A_86, %get3A_3 : vector<16xi32>
      %or3A = arith.ori %ge3A, %ge3A_87 : vector<16xi1>
      %or3A_94 = arith.ori %or3A, %ge3A_88 : vector<16xi1>
      %or3A_95 = arith.ori %or3A_94, %ge3A_89 : vector<16xi1>
      %or3A_96 = arith.ori %or3A_95, %ge3A_90 : vector<16xi1>
      %or3A_97 = arith.ori %or3A_96, %ge3A_91 : vector<16xi1>
      %or3A_98 = arith.ori %or3A_97, %ge3A_92 : vector<16xi1>
      %or3A_99 = arith.ori %or3A_98, %ge3A_93 : vector<16xi1>
      %convert_element_type3A = arith.extui %or3A_99 : vector<16xi1> to vector<16xi32>
      %reduce_sum3A = arith.constant true
      %reduce_sum3A_100 = vector.broadcast %reduce_sum3A : i1 to vector<16xi1>
      %reduce_sum3A_101 = tpu.scan <sum>, %convert_element_type3A masked %reduce_sum3A_100 : vector<16xi32>, vector<16xi1> -> vector<16xi32>
      %reduce_sum3A_102 = vector.extract %reduce_sum3A_101[15] : i32 from vector<16xi32>
      %gt3A = arith.constant 0 : i32
      %gt3A_103 = arith.cmpi sgt, %reduce_sum3A_102, %gt3A : i32
      %convert_element_type3A_104 = arith.extui %gt3A_103 : i1 to i32
      %cond3A = arith.constant 0 : i32
      %cond3A_105 = arith.cmpi ne, %convert_element_type3A_104, %cond3A : i32
      %cond3A_106 = scf.if %cond3A_105 -> (i32) {
        %convert_element_type3A_107 = arith.extui %ge3A : vector<16xi1> to vector<16xi32>
        %reduce_sum3A_108 = arith.constant true
        %reduce_sum3A_109 = vector.broadcast %reduce_sum3A_108 : i1 to vector<16xi1>
        %reduce_sum3A_110 = tpu.scan <sum>, %convert_element_type3A_107 masked %reduce_sum3A_109 : vector<16xi32>, vector<16xi1> -> vector<16xi32>
        %reduce_sum3A_111 = vector.extract %reduce_sum3A_110[15] : i32 from vector<16xi32>
        %min3A = arith.constant 96 : i32
        %min3A_112 = arith.minsi %scan3A_22, %min3A : i32
        %mul3A_113 = arith.constant 8 : i32
        %mul3A_114 = arith.muli %scan3A_21, %mul3A_113 : i32
        %add3A_115 = arith.constant 0 : i32
        %add3A_116 = arith.addi %mul3A_114, %add3A_115 : i32
        %mul3A_117 = arith.constant 16 : i32
        %mul3A_118 = arith.muli %add3A_116, %mul3A_117 : i32
        %add3A_119 = arith.addi %mul3A_2, %mul3A_118 : i32
        %broadcast_in_dim3A = vector.broadcast %add3A_119 : i32 to vector<16xi32>
        %add3A_120 = arith.addi %broadcast_in_dim3A, %iota3A : vector<16xi32>
        %swap3A = arith.index_cast %min3A_112 : i32 to index
        %swap3A_121 = tpu.vector_load %arg7[%swap3A] masked %ge3A {strides = array<i32>} : memref<112xi32, #tpu.memory_space<vmem>>, vector<16xi32>, vector<16xi1>
        tpu.vector_store %arg7[%swap3A], %get3A_30 masked %ge3A {strides = array<i32>} : memref<112xi32, #tpu.memory_space<vmem>>, vector<16xi32>, vector<16xi1>
        %swap3A_122 = arith.index_cast %min3A_112 : i32 to index
        %swap3A_123 = tpu.vector_load %arg8[%swap3A_122] masked %ge3A {strides = array<i32>} : memref<112xi32, #tpu.memory_space<vmem>>, vector<16xi32>, vector<16xi1>
        tpu.vector_store %arg8[%swap3A_122], %add3A_120 masked %ge3A {strides = array<i32>} : memref<112xi32, #tpu.memory_space<vmem>>, vector<16xi32>, vector<16xi1>
        %add3A_124 = arith.addi %scan3A_22, %reduce_sum3A_111 : i32
        %convert_element_type3A_125 = arith.extui %ge3A_87 : vector<16xi1> to vector<16xi32>
        %reduce_sum3A_126 = arith.constant true
        %reduce_sum3A_127 = vector.broadcast %reduce_sum3A_126 : i1 to vector<16xi1>
        %reduce_sum3A_128 = tpu.scan <sum>, %convert_element_type3A_125 masked %reduce_sum3A_127 : vector<16xi32>, vector<16xi1> -> vector<16xi32>
        %reduce_sum3A_129 = vector.extract %reduce_sum3A_128[15] : i32 from vector<16xi32>
        %min3A_130 = arith.constant 96 : i32
        %min3A_131 = arith.minsi %add3A_124, %min3A_130 : i32
        %mul3A_132 = arith.constant 8 : i32
        %mul3A_133 = arith.muli %scan3A_21, %mul3A_132 : i32
        %add3A_134 = arith.constant 1 : i32
        %add3A_135 = arith.addi %mul3A_133, %add3A_134 : i32
        %mul3A_136 = arith.constant 16 : i32
        %mul3A_137 = arith.muli %add3A_135, %mul3A_136 : i32
        %add3A_138 = arith.addi %mul3A_2, %mul3A_137 : i32
        %broadcast_in_dim3A_139 = vector.broadcast %add3A_138 : i32 to vector<16xi32>
        %add3A_140 = arith.addi %broadcast_in_dim3A_139, %iota3A : vector<16xi32>
        %swap3A_141 = arith.index_cast %min3A_131 : i32 to index
        %swap3A_142 = tpu.vector_load %arg7[%swap3A_141] masked %ge3A_87 {strides = array<i32>} : memref<112xi32, #tpu.memory_space<vmem>>, vector<16xi32>, vector<16xi1>
        tpu.vector_store %arg7[%swap3A_141], %get3A_38 masked %ge3A_87 {strides = array<i32>} : memref<112xi32, #tpu.memory_space<vmem>>, vector<16xi32>, vector<16xi1>
        %swap3A_143 = arith.index_cast %min3A_131 : i32 to index
        %swap3A_144 = tpu.vector_load %arg8[%swap3A_143] masked %ge3A_87 {strides = array<i32>} : memref<112xi32, #tpu.memory_space<vmem>>, vector<16xi32>, vector<16xi1>
        tpu.vector_store %arg8[%swap3A_143], %add3A_140 masked %ge3A_87 {strides = array<i32>} : memref<112xi32, #tpu.memory_space<vmem>>, vector<16xi32>, vector<16xi1>
        %add3A_145 = arith.addi %add3A_124, %reduce_sum3A_129 : i32
        %convert_element_type3A_146 = arith.extui %ge3A_88 : vector<16xi1> to vector<16xi32>
        %reduce_sum3A_147 = arith.constant true
        %reduce_sum3A_148 = vector.broadcast %reduce_sum3A_147 : i1 to vector<16xi1>
        %reduce_sum3A_149 = tpu.scan <sum>, %convert_element_type3A_146 masked %reduce_sum3A_148 : vector<16xi32>, vector<16xi1> -> vector<16xi32>
        %reduce_sum3A_150 = vector.extract %reduce_sum3A_149[15] : i32 from vector<16xi32>
        %min3A_151 = arith.constant 96 : i32
        %min3A_152 = arith.minsi %add3A_145, %min3A_151 : i32
        %mul3A_153 = arith.constant 8 : i32
        %mul3A_154 = arith.muli %scan3A_21, %mul3A_153 : i32
        %add3A_155 = arith.constant 2 : i32
        %add3A_156 = arith.addi %mul3A_154, %add3A_155 : i32
        %mul3A_157 = arith.constant 16 : i32
        %mul3A_158 = arith.muli %add3A_156, %mul3A_157 : i32
        %add3A_159 = arith.addi %mul3A_2, %mul3A_158 : i32
        %broadcast_in_dim3A_160 = vector.broadcast %add3A_159 : i32 to vector<16xi32>
        %add3A_161 = arith.addi %broadcast_in_dim3A_160, %iota3A : vector<16xi32>
        %swap3A_162 = arith.index_cast %min3A_152 : i32 to index
        %swap3A_163 = tpu.vector_load %arg7[%swap3A_162] masked %ge3A_88 {strides = array<i32>} : memref<112xi32, #tpu.memory_space<vmem>>, vector<16xi32>, vector<16xi1>
        tpu.vector_store %arg7[%swap3A_162], %get3A_46 masked %ge3A_88 {strides = array<i32>} : memref<112xi32, #tpu.memory_space<vmem>>, vector<16xi32>, vector<16xi1>
        %swap3A_164 = arith.index_cast %min3A_152 : i32 to index
        %swap3A_165 = tpu.vector_load %arg8[%swap3A_164] masked %ge3A_88 {strides = array<i32>} : memref<112xi32, #tpu.memory_space<vmem>>, vector<16xi32>, vector<16xi1>
        tpu.vector_store %arg8[%swap3A_164], %add3A_161 masked %ge3A_88 {strides = array<i32>} : memref<112xi32, #tpu.memory_space<vmem>>, vector<16xi32>, vector<16xi1>
        %add3A_166 = arith.addi %add3A_145, %reduce_sum3A_150 : i32
        %convert_element_type3A_167 = arith.extui %ge3A_89 : vector<16xi1> to vector<16xi32>
        %reduce_sum3A_168 = arith.constant true
        %reduce_sum3A_169 = vector.broadcast %reduce_sum3A_168 : i1 to vector<16xi1>
        %reduce_sum3A_170 = tpu.scan <sum>, %convert_element_type3A_167 masked %reduce_sum3A_169 : vector<16xi32>, vector<16xi1> -> vector<16xi32>
        %reduce_sum3A_171 = vector.extract %reduce_sum3A_170[15] : i32 from vector<16xi32>
        %min3A_172 = arith.constant 96 : i32
        %min3A_173 = arith.minsi %add3A_166, %min3A_172 : i32
        %mul3A_174 = arith.constant 8 : i32
        %mul3A_175 = arith.muli %scan3A_21, %mul3A_174 : i32
        %add3A_176 = arith.constant 3 : i32
        %add3A_177 = arith.addi %mul3A_175, %add3A_176 : i32
        %mul3A_178 = arith.constant 16 : i32
        %mul3A_179 = arith.muli %add3A_177, %mul3A_178 : i32
        %add3A_180 = arith.addi %mul3A_2, %mul3A_179 : i32
        %broadcast_in_dim3A_181 = vector.broadcast %add3A_180 : i32 to vector<16xi32>
        %add3A_182 = arith.addi %broadcast_in_dim3A_181, %iota3A : vector<16xi32>
        %swap3A_183 = arith.index_cast %min3A_173 : i32 to index
        %swap3A_184 = tpu.vector_load %arg7[%swap3A_183] masked %ge3A_89 {strides = array<i32>} : memref<112xi32, #tpu.memory_space<vmem>>, vector<16xi32>, vector<16xi1>
        tpu.vector_store %arg7[%swap3A_183], %get3A_54 masked %ge3A_89 {strides = array<i32>} : memref<112xi32, #tpu.memory_space<vmem>>, vector<16xi32>, vector<16xi1>
        %swap3A_185 = arith.index_cast %min3A_173 : i32 to index
        %swap3A_186 = tpu.vector_load %arg8[%swap3A_185] masked %ge3A_89 {strides = array<i32>} : memref<112xi32, #tpu.memory_space<vmem>>, vector<16xi32>, vector<16xi1>
        tpu.vector_store %arg8[%swap3A_185], %add3A_182 masked %ge3A_89 {strides = array<i32>} : memref<112xi32, #tpu.memory_space<vmem>>, vector<16xi32>, vector<16xi1>
        %add3A_187 = arith.addi %add3A_166, %reduce_sum3A_171 : i32
        %convert_element_type3A_188 = arith.extui %ge3A_90 : vector<16xi1> to vector<16xi32>
        %reduce_sum3A_189 = arith.constant true
        %reduce_sum3A_190 = vector.broadcast %reduce_sum3A_189 : i1 to vector<16xi1>
        %reduce_sum3A_191 = tpu.scan <sum>, %convert_element_type3A_188 masked %reduce_sum3A_190 : vector<16xi32>, vector<16xi1> -> vector<16xi32>
        %reduce_sum3A_192 = vector.extract %reduce_sum3A_191[15] : i32 from vector<16xi32>
        %min3A_193 = arith.constant 96 : i32
        %min3A_194 = arith.minsi %add3A_187, %min3A_193 : i32
        %mul3A_195 = arith.constant 8 : i32
        %mul3A_196 = arith.muli %scan3A_21, %mul3A_195 : i32
        %add3A_197 = arith.constant 4 : i32
        %add3A_198 = arith.addi %mul3A_196, %add3A_197 : i32
        %mul3A_199 = arith.constant 16 : i32
        %mul3A_200 = arith.muli %add3A_198, %mul3A_199 : i32
        %add3A_201 = arith.addi %mul3A_2, %mul3A_200 : i32
        %broadcast_in_dim3A_202 = vector.broadcast %add3A_201 : i32 to vector<16xi32>
        %add3A_203 = arith.addi %broadcast_in_dim3A_202, %iota3A : vector<16xi32>
        %swap3A_204 = arith.index_cast %min3A_194 : i32 to index
        %swap3A_205 = tpu.vector_load %arg7[%swap3A_204] masked %ge3A_90 {strides = array<i32>} : memref<112xi32, #tpu.memory_space<vmem>>, vector<16xi32>, vector<16xi1>
        tpu.vector_store %arg7[%swap3A_204], %get3A_62 masked %ge3A_90 {strides = array<i32>} : memref<112xi32, #tpu.memory_space<vmem>>, vector<16xi32>, vector<16xi1>
        %swap3A_206 = arith.index_cast %min3A_194 : i32 to index
        %swap3A_207 = tpu.vector_load %arg8[%swap3A_206] masked %ge3A_90 {strides = array<i32>} : memref<112xi32, #tpu.memory_space<vmem>>, vector<16xi32>, vector<16xi1>
        tpu.vector_store %arg8[%swap3A_206], %add3A_203 masked %ge3A_90 {strides = array<i32>} : memref<112xi32, #tpu.memory_space<vmem>>, vector<16xi32>, vector<16xi1>
        %add3A_208 = arith.addi %add3A_187, %reduce_sum3A_192 : i32
        %convert_element_type3A_209 = arith.extui %ge3A_91 : vector<16xi1> to vector<16xi32>
        %reduce_sum3A_210 = arith.constant true
        %reduce_sum3A_211 = vector.broadcast %reduce_sum3A_210 : i1 to vector<16xi1>
        %reduce_sum3A_212 = tpu.scan <sum>, %convert_element_type3A_209 masked %reduce_sum3A_211 : vector<16xi32>, vector<16xi1> -> vector<16xi32>
        %reduce_sum3A_213 = vector.extract %reduce_sum3A_212[15] : i32 from vector<16xi32>
        %min3A_214 = arith.constant 96 : i32
        %min3A_215 = arith.minsi %add3A_208, %min3A_214 : i32
        %mul3A_216 = arith.constant 8 : i32
        %mul3A_217 = arith.muli %scan3A_21, %mul3A_216 : i32
        %add3A_218 = arith.constant 5 : i32
        %add3A_219 = arith.addi %mul3A_217, %add3A_218 : i32
        %mul3A_220 = arith.constant 16 : i32
        %mul3A_221 = arith.muli %add3A_219, %mul3A_220 : i32
        %add3A_222 = arith.addi %mul3A_2, %mul3A_221 : i32
        %broadcast_in_dim3A_223 = vector.broadcast %add3A_222 : i32 to vector<16xi32>
        %add3A_224 = arith.addi %broadcast_in_dim3A_223, %iota3A : vector<16xi32>
        %swap3A_225 = arith.index_cast %min3A_215 : i32 to index
        %swap3A_226 = tpu.vector_load %arg7[%swap3A_225] masked %ge3A_91 {strides = array<i32>} : memref<112xi32, #tpu.memory_space<vmem>>, vector<16xi32>, vector<16xi1>
        tpu.vector_store %arg7[%swap3A_225], %get3A_70 masked %ge3A_91 {strides = array<i32>} : memref<112xi32, #tpu.memory_space<vmem>>, vector<16xi32>, vector<16xi1>
        %swap3A_227 = arith.index_cast %min3A_215 : i32 to index
        %swap3A_228 = tpu.vector_load %arg8[%swap3A_227] masked %ge3A_91 {strides = array<i32>} : memref<112xi32, #tpu.memory_space<vmem>>, vector<16xi32>, vector<16xi1>
        tpu.vector_store %arg8[%swap3A_227], %add3A_224 masked %ge3A_91 {strides = array<i32>} : memref<112xi32, #tpu.memory_space<vmem>>, vector<16xi32>, vector<16xi1>
        %add3A_229 = arith.addi %add3A_208, %reduce_sum3A_213 : i32
        %convert_element_type3A_230 = arith.extui %ge3A_92 : vector<16xi1> to vector<16xi32>
        %reduce_sum3A_231 = arith.constant true
        %reduce_sum3A_232 = vector.broadcast %reduce_sum3A_231 : i1 to vector<16xi1>
        %reduce_sum3A_233 = tpu.scan <sum>, %convert_element_type3A_230 masked %reduce_sum3A_232 : vector<16xi32>, vector<16xi1> -> vector<16xi32>
        %reduce_sum3A_234 = vector.extract %reduce_sum3A_233[15] : i32 from vector<16xi32>
        %min3A_235 = arith.constant 96 : i32
        %min3A_236 = arith.minsi %add3A_229, %min3A_235 : i32
        %mul3A_237 = arith.constant 8 : i32
        %mul3A_238 = arith.muli %scan3A_21, %mul3A_237 : i32
        %add3A_239 = arith.constant 6 : i32
        %add3A_240 = arith.addi %mul3A_238, %add3A_239 : i32
        %mul3A_241 = arith.constant 16 : i32
        %mul3A_242 = arith.muli %add3A_240, %mul3A_241 : i32
        %add3A_243 = arith.addi %mul3A_2, %mul3A_242 : i32
        %broadcast_in_dim3A_244 = vector.broadcast %add3A_243 : i32 to vector<16xi32>
        %add3A_245 = arith.addi %broadcast_in_dim3A_244, %iota3A : vector<16xi32>
        %swap3A_246 = arith.index_cast %min3A_236 : i32 to index
        %swap3A_247 = tpu.vector_load %arg7[%swap3A_246] masked %ge3A_92 {strides = array<i32>} : memref<112xi32, #tpu.memory_space<vmem>>, vector<16xi32>, vector<16xi1>
        tpu.vector_store %arg7[%swap3A_246], %get3A_78 masked %ge3A_92 {strides = array<i32>} : memref<112xi32, #tpu.memory_space<vmem>>, vector<16xi32>, vector<16xi1>
        %swap3A_248 = arith.index_cast %min3A_236 : i32 to index
        %swap3A_249 = tpu.vector_load %arg8[%swap3A_248] masked %ge3A_92 {strides = array<i32>} : memref<112xi32, #tpu.memory_space<vmem>>, vector<16xi32>, vector<16xi1>
        tpu.vector_store %arg8[%swap3A_248], %add3A_245 masked %ge3A_92 {strides = array<i32>} : memref<112xi32, #tpu.memory_space<vmem>>, vector<16xi32>, vector<16xi1>
        %add3A_250 = arith.addi %add3A_229, %reduce_sum3A_234 : i32
        %convert_element_type3A_251 = arith.extui %ge3A_93 : vector<16xi1> to vector<16xi32>
        %reduce_sum3A_252 = arith.constant true
        %reduce_sum3A_253 = vector.broadcast %reduce_sum3A_252 : i1 to vector<16xi1>
        %reduce_sum3A_254 = tpu.scan <sum>, %convert_element_type3A_251 masked %reduce_sum3A_253 : vector<16xi32>, vector<16xi1> -> vector<16xi32>
        %reduce_sum3A_255 = vector.extract %reduce_sum3A_254[15] : i32 from vector<16xi32>
        %min3A_256 = arith.constant 96 : i32
        %min3A_257 = arith.minsi %add3A_250, %min3A_256 : i32
        %mul3A_258 = arith.constant 8 : i32
        %mul3A_259 = arith.muli %scan3A_21, %mul3A_258 : i32
        %add3A_260 = arith.constant 7 : i32
        %add3A_261 = arith.addi %mul3A_259, %add3A_260 : i32
        %mul3A_262 = arith.constant 16 : i32
        %mul3A_263 = arith.muli %add3A_261, %mul3A_262 : i32
        %add3A_264 = arith.addi %mul3A_2, %mul3A_263 : i32
        %broadcast_in_dim3A_265 = vector.broadcast %add3A_264 : i32 to vector<16xi32>
        %add3A_266 = arith.addi %broadcast_in_dim3A_265, %iota3A : vector<16xi32>
        %swap3A_267 = arith.index_cast %min3A_257 : i32 to index
        %swap3A_268 = tpu.vector_load %arg7[%swap3A_267] masked %ge3A_93 {strides = array<i32>} : memref<112xi32, #tpu.memory_space<vmem>>, vector<16xi32>, vector<16xi1>
        tpu.vector_store %arg7[%swap3A_267], %get3A_86 masked %ge3A_93 {strides = array<i32>} : memref<112xi32, #tpu.memory_space<vmem>>, vector<16xi32>, vector<16xi1>
        %swap3A_269 = arith.index_cast %min3A_257 : i32 to index
        %swap3A_270 = tpu.vector_load %arg8[%swap3A_269] masked %ge3A_93 {strides = array<i32>} : memref<112xi32, #tpu.memory_space<vmem>>, vector<16xi32>, vector<16xi1>
        tpu.vector_store %arg8[%swap3A_269], %add3A_266 masked %ge3A_93 {strides = array<i32>} : memref<112xi32, #tpu.memory_space<vmem>>, vector<16xi32>, vector<16xi1>
        %add3A_271 = arith.addi %add3A_250, %reduce_sum3A_255 : i32
        scf.yield %add3A_271 : i32
      } else {
        scf.yield %scan3A_22 : i32
      }
      scf.yield %cond3A_106 : i32
    }
    %scan3A_16 = arith.constant 256 : i32
    %mul3A_17 = arith.constant 96 : i32
    %mul3A_18 = arith.muli %add3A, %mul3A_17 : i32
    "tpu.region"() ({
      %run_scoped3A = tpu.sem_alloc : memref<!tpu.dma_semaphore, #tpu.memory_space<semaphore_mem>>
      %dma_start3A = arith.constant 0 : i32
      %dma_start3A_21 = tpu.memref_slice %arg7[%dma_start3A] : memref<112xi32, #tpu.memory_space<vmem>> -> memref<96xi32, #tpu.memory_space<vmem>>
      %dma_start3A_22 = tpu.memref_slice %arg4[%mul3A_18] : memref<3072xi32, #tpu.memory_space<hbm>> -> memref<96xi32, #tpu.memory_space<hbm>>
      %dma_start3A_23 = tpu.memref_slice %arg4[%mul3A_18] : memref<3072xi32, #tpu.memory_space<hbm>> -> memref<96xi32, #tpu.memory_space<hbm>>
      %dma_start3A_24 = arith.constant 0 : i32
      %dma_start3A_25 = tpu.memref_slice %arg7[%dma_start3A_24] : memref<112xi32, #tpu.memory_space<vmem>> -> memref<96xi32, #tpu.memory_space<vmem>>
      tpu.enqueue_dma source(%dma_start3A_25 : memref<96xi32, #tpu.memory_space<vmem>>) target(%dma_start3A_23 : memref<96xi32, #tpu.memory_space<hbm>>) target_semaphore(%run_scoped3A : memref<!tpu.dma_semaphore, #tpu.memory_space<semaphore_mem>>)
      %dma_wait3A = arith.constant 0 : i32
      %dma_wait3A_26 = tpu.memref_slice %arg7[%dma_wait3A] : memref<112xi32, #tpu.memory_space<vmem>> -> memref<96xi32, #tpu.memory_space<vmem>>
      %dma_wait3A_27 = tpu.memref_slice %arg4[%mul3A_18] : memref<3072xi32, #tpu.memory_space<hbm>> -> memref<96xi32, #tpu.memory_space<hbm>>
      %dma_wait3A_28 = tpu.memref_slice %arg4[%mul3A_18] : memref<3072xi32, #tpu.memory_space<hbm>> -> memref<96xi32, #tpu.memory_space<hbm>>
      %dma_wait3A_29 = arith.constant 0 : i32
      %dma_wait3A_30 = tpu.memref_slice %arg7[%dma_wait3A_29] : memref<112xi32, #tpu.memory_space<vmem>> -> memref<96xi32, #tpu.memory_space<vmem>>
      tpu.wait_dma2 semaphore(%run_scoped3A : memref<!tpu.dma_semaphore, #tpu.memory_space<semaphore_mem>>) src(%dma_wait3A_30 : memref<96xi32, #tpu.memory_space<vmem>>) dst(%dma_wait3A_28 : memref<96xi32, #tpu.memory_space<hbm>>)
      tpu.yield
    }) : () -> ()
    %mul3A_19 = arith.constant 96 : i32
    %mul3A_20 = arith.muli %add3A, %mul3A_19 : i32
    "tpu.region"() ({
      %run_scoped3A = tpu.sem_alloc : memref<!tpu.dma_semaphore, #tpu.memory_space<semaphore_mem>>
      %dma_start3A = arith.constant 0 : i32
      %dma_start3A_21 = tpu.memref_slice %arg8[%dma_start3A] : memref<112xi32, #tpu.memory_space<vmem>> -> memref<96xi32, #tpu.memory_space<vmem>>
      %dma_start3A_22 = tpu.memref_slice %arg5[%mul3A_20] : memref<3072xi32, #tpu.memory_space<hbm>> -> memref<96xi32, #tpu.memory_space<hbm>>
      %dma_start3A_23 = tpu.memref_slice %arg5[%mul3A_20] : memref<3072xi32, #tpu.memory_space<hbm>> -> memref<96xi32, #tpu.memory_space<hbm>>
      %dma_start3A_24 = arith.constant 0 : i32
      %dma_start3A_25 = tpu.memref_slice %arg8[%dma_start3A_24] : memref<112xi32, #tpu.memory_space<vmem>> -> memref<96xi32, #tpu.memory_space<vmem>>
      tpu.enqueue_dma source(%dma_start3A_25 : memref<96xi32, #tpu.memory_space<vmem>>) target(%dma_start3A_23 : memref<96xi32, #tpu.memory_space<hbm>>) target_semaphore(%run_scoped3A : memref<!tpu.dma_semaphore, #tpu.memory_space<semaphore_mem>>)
      %dma_wait3A = arith.constant 0 : i32
      %dma_wait3A_26 = tpu.memref_slice %arg8[%dma_wait3A] : memref<112xi32, #tpu.memory_space<vmem>> -> memref<96xi32, #tpu.memory_space<vmem>>
      %dma_wait3A_27 = tpu.memref_slice %arg5[%mul3A_20] : memref<3072xi32, #tpu.memory_space<hbm>> -> memref<96xi32, #tpu.memory_space<hbm>>
      %dma_wait3A_28 = tpu.memref_slice %arg5[%mul3A_20] : memref<3072xi32, #tpu.memory_space<hbm>> -> memref<96xi32, #tpu.memory_space<hbm>>
      %dma_wait3A_29 = arith.constant 0 : i32
      %dma_wait3A_30 = tpu.memref_slice %arg8[%dma_wait3A_29] : memref<112xi32, #tpu.memory_space<vmem>> -> memref<96xi32, #tpu.memory_space<vmem>>
      tpu.wait_dma2 semaphore(%run_scoped3A : memref<!tpu.dma_semaphore, #tpu.memory_space<semaphore_mem>>) src(%dma_wait3A_30 : memref<96xi32, #tpu.memory_space<vmem>>) dst(%dma_wait3A_28 : memref<96xi32, #tpu.memory_space<hbm>>)
      tpu.yield
    }) : () -> ()
    return
  }
}

module attributes {stable_mosaic.version = 14 : i64} {
  func.func @_k3_body(%arg0: memref<24x128xi32, #tpu.memory_space<vmem>>, %arg1: memref<24x128xi32, #tpu.memory_space<vmem>>, %arg2: memref<3072xi32, #tpu.memory_space<smem>>, %arg3: memref<3072xi32, #tpu.memory_space<smem>>, %arg4: memref<1x1024xi32, #tpu.memory_space<vmem>>) attributes {dimension_semantics = [], scalar_prefetch = 0 : i64, scratch_operands = 0 : i64, tpu.core_type = #tpu.core_type<tc>} {
    %get3A = arith.constant 0 : index
    %get3A_0 = arith.constant 0 : index
    %get3A_1 = vector.load %arg0[%get3A, %get3A_0] : memref<24x128xi32, #tpu.memory_space<vmem>>, vector<24x128xi32>
    %get3A_2 = arith.constant 0 : index
    %get3A_3 = arith.constant 0 : index
    %get3A_4 = vector.load %arg1[%get3A_2, %get3A_3] : memref<24x128xi32, #tpu.memory_space<vmem>>, vector<24x128xi32>
    %broadcast_in_dim3A = arith.constant 0 : i32
    %broadcast_in_dim3A_5 = vector.broadcast %broadcast_in_dim3A : i32 to vector<24x128xi32>
    %scan3A = arith.constant 0 : i32
    %scan3A_6 = arith.constant 3072 : i32
    %scan3A_7 = arith.addi %scan3A, %scan3A_6 : i32
    %scan3A_8 = arith.constant 8 : i32
    %scan3A_9 = scf.for %scan3A_298 = %scan3A to %scan3A_7 step %scan3A_8 iter_args(%scan3A_299 = %broadcast_in_dim3A_5) -> (vector<24x128xi32>)  : i32 {
      %get3A_300 = arith.index_cast %scan3A_298 : i32 to index
      %get3A_301 = memref.load %arg2[%get3A_300] : memref<3072xi32, #tpu.memory_space<smem>>
      %get3A_302 = arith.index_cast %scan3A_298 : i32 to index
      %get3A_303 = memref.load %arg3[%get3A_302] : memref<3072xi32, #tpu.memory_space<smem>>
      %gt3A = vector.broadcast %get3A_301 : i32 to vector<24x128xi32>
      %gt3A_304 = arith.cmpi sgt, %gt3A, %get3A_1 : vector<24x128xi32>
      %eq3A_305 = vector.broadcast %get3A_301 : i32 to vector<24x128xi32>
      %eq3A_306 = arith.cmpi eq, %eq3A_305, %get3A_1 : vector<24x128xi32>
      %lt3A = vector.broadcast %get3A_303 : i32 to vector<24x128xi32>
      %lt3A_307 = arith.cmpi slt, %lt3A, %get3A_4 : vector<24x128xi32>
      %and3A = arith.andi %eq3A_306, %lt3A_307 : vector<24x128xi1>
      %or3A = arith.ori %gt3A_304, %and3A : vector<24x128xi1>
      %convert_element_type3A_308 = arith.extui %or3A : vector<24x128xi1> to vector<24x128xi32>
      %add3A_309 = arith.addi %scan3A_299, %convert_element_type3A_308 : vector<24x128xi32>
      %scan3A_310 = arith.constant 1 : i32
      %scan3A_311 = arith.addi %scan3A_298, %scan3A_310 : i32
      %get3A_312 = arith.index_cast %scan3A_311 : i32 to index
      %get3A_313 = memref.load %arg2[%get3A_312] : memref<3072xi32, #tpu.memory_space<smem>>
      %get3A_314 = arith.index_cast %scan3A_311 : i32 to index
      %get3A_315 = memref.load %arg3[%get3A_314] : memref<3072xi32, #tpu.memory_space<smem>>
      %gt3A_316 = vector.broadcast %get3A_313 : i32 to vector<24x128xi32>
      %gt3A_317 = arith.cmpi sgt, %gt3A_316, %get3A_1 : vector<24x128xi32>
      %eq3A_318 = vector.broadcast %get3A_313 : i32 to vector<24x128xi32>
      %eq3A_319 = arith.cmpi eq, %eq3A_318, %get3A_1 : vector<24x128xi32>
      %lt3A_320 = vector.broadcast %get3A_315 : i32 to vector<24x128xi32>
      %lt3A_321 = arith.cmpi slt, %lt3A_320, %get3A_4 : vector<24x128xi32>
      %and3A_322 = arith.andi %eq3A_319, %lt3A_321 : vector<24x128xi1>
      %or3A_323 = arith.ori %gt3A_317, %and3A_322 : vector<24x128xi1>
      %convert_element_type3A_324 = arith.extui %or3A_323 : vector<24x128xi1> to vector<24x128xi32>
      %add3A_325 = arith.addi %add3A_309, %convert_element_type3A_324 : vector<24x128xi32>
      %scan3A_326 = arith.constant 2 : i32
      %scan3A_327 = arith.addi %scan3A_298, %scan3A_326 : i32
      %get3A_328 = arith.index_cast %scan3A_327 : i32 to index
      %get3A_329 = memref.load %arg2[%get3A_328] : memref<3072xi32, #tpu.memory_space<smem>>
      %get3A_330 = arith.index_cast %scan3A_327 : i32 to index
      %get3A_331 = memref.load %arg3[%get3A_330] : memref<3072xi32, #tpu.memory_space<smem>>
      %gt3A_332 = vector.broadcast %get3A_329 : i32 to vector<24x128xi32>
      %gt3A_333 = arith.cmpi sgt, %gt3A_332, %get3A_1 : vector<24x128xi32>
      %eq3A_334 = vector.broadcast %get3A_329 : i32 to vector<24x128xi32>
      %eq3A_335 = arith.cmpi eq, %eq3A_334, %get3A_1 : vector<24x128xi32>
      %lt3A_336 = vector.broadcast %get3A_331 : i32 to vector<24x128xi32>
      %lt3A_337 = arith.cmpi slt, %lt3A_336, %get3A_4 : vector<24x128xi32>
      %and3A_338 = arith.andi %eq3A_335, %lt3A_337 : vector<24x128xi1>
      %or3A_339 = arith.ori %gt3A_333, %and3A_338 : vector<24x128xi1>
      %convert_element_type3A_340 = arith.extui %or3A_339 : vector<24x128xi1> to vector<24x128xi32>
      %add3A_341 = arith.addi %add3A_325, %convert_element_type3A_340 : vector<24x128xi32>
      %scan3A_342 = arith.constant 3 : i32
      %scan3A_343 = arith.addi %scan3A_298, %scan3A_342 : i32
      %get3A_344 = arith.index_cast %scan3A_343 : i32 to index
      %get3A_345 = memref.load %arg2[%get3A_344] : memref<3072xi32, #tpu.memory_space<smem>>
      %get3A_346 = arith.index_cast %scan3A_343 : i32 to index
      %get3A_347 = memref.load %arg3[%get3A_346] : memref<3072xi32, #tpu.memory_space<smem>>
      %gt3A_348 = vector.broadcast %get3A_345 : i32 to vector<24x128xi32>
      %gt3A_349 = arith.cmpi sgt, %gt3A_348, %get3A_1 : vector<24x128xi32>
      %eq3A_350 = vector.broadcast %get3A_345 : i32 to vector<24x128xi32>
      %eq3A_351 = arith.cmpi eq, %eq3A_350, %get3A_1 : vector<24x128xi32>
      %lt3A_352 = vector.broadcast %get3A_347 : i32 to vector<24x128xi32>
      %lt3A_353 = arith.cmpi slt, %lt3A_352, %get3A_4 : vector<24x128xi32>
      %and3A_354 = arith.andi %eq3A_351, %lt3A_353 : vector<24x128xi1>
      %or3A_355 = arith.ori %gt3A_349, %and3A_354 : vector<24x128xi1>
      %convert_element_type3A_356 = arith.extui %or3A_355 : vector<24x128xi1> to vector<24x128xi32>
      %add3A_357 = arith.addi %add3A_341, %convert_element_type3A_356 : vector<24x128xi32>
      %scan3A_358 = arith.constant 4 : i32
      %scan3A_359 = arith.addi %scan3A_298, %scan3A_358 : i32
      %get3A_360 = arith.index_cast %scan3A_359 : i32 to index
      %get3A_361 = memref.load %arg2[%get3A_360] : memref<3072xi32, #tpu.memory_space<smem>>
      %get3A_362 = arith.index_cast %scan3A_359 : i32 to index
      %get3A_363 = memref.load %arg3[%get3A_362] : memref<3072xi32, #tpu.memory_space<smem>>
      %gt3A_364 = vector.broadcast %get3A_361 : i32 to vector<24x128xi32>
      %gt3A_365 = arith.cmpi sgt, %gt3A_364, %get3A_1 : vector<24x128xi32>
      %eq3A_366 = vector.broadcast %get3A_361 : i32 to vector<24x128xi32>
      %eq3A_367 = arith.cmpi eq, %eq3A_366, %get3A_1 : vector<24x128xi32>
      %lt3A_368 = vector.broadcast %get3A_363 : i32 to vector<24x128xi32>
      %lt3A_369 = arith.cmpi slt, %lt3A_368, %get3A_4 : vector<24x128xi32>
      %and3A_370 = arith.andi %eq3A_367, %lt3A_369 : vector<24x128xi1>
      %or3A_371 = arith.ori %gt3A_365, %and3A_370 : vector<24x128xi1>
      %convert_element_type3A_372 = arith.extui %or3A_371 : vector<24x128xi1> to vector<24x128xi32>
      %add3A_373 = arith.addi %add3A_357, %convert_element_type3A_372 : vector<24x128xi32>
      %scan3A_374 = arith.constant 5 : i32
      %scan3A_375 = arith.addi %scan3A_298, %scan3A_374 : i32
      %get3A_376 = arith.index_cast %scan3A_375 : i32 to index
      %get3A_377 = memref.load %arg2[%get3A_376] : memref<3072xi32, #tpu.memory_space<smem>>
      %get3A_378 = arith.index_cast %scan3A_375 : i32 to index
      %get3A_379 = memref.load %arg3[%get3A_378] : memref<3072xi32, #tpu.memory_space<smem>>
      %gt3A_380 = vector.broadcast %get3A_377 : i32 to vector<24x128xi32>
      %gt3A_381 = arith.cmpi sgt, %gt3A_380, %get3A_1 : vector<24x128xi32>
      %eq3A_382 = vector.broadcast %get3A_377 : i32 to vector<24x128xi32>
      %eq3A_383 = arith.cmpi eq, %eq3A_382, %get3A_1 : vector<24x128xi32>
      %lt3A_384 = vector.broadcast %get3A_379 : i32 to vector<24x128xi32>
      %lt3A_385 = arith.cmpi slt, %lt3A_384, %get3A_4 : vector<24x128xi32>
      %and3A_386 = arith.andi %eq3A_383, %lt3A_385 : vector<24x128xi1>
      %or3A_387 = arith.ori %gt3A_381, %and3A_386 : vector<24x128xi1>
      %convert_element_type3A_388 = arith.extui %or3A_387 : vector<24x128xi1> to vector<24x128xi32>
      %add3A_389 = arith.addi %add3A_373, %convert_element_type3A_388 : vector<24x128xi32>
      %scan3A_390 = arith.constant 6 : i32
      %scan3A_391 = arith.addi %scan3A_298, %scan3A_390 : i32
      %get3A_392 = arith.index_cast %scan3A_391 : i32 to index
      %get3A_393 = memref.load %arg2[%get3A_392] : memref<3072xi32, #tpu.memory_space<smem>>
      %get3A_394 = arith.index_cast %scan3A_391 : i32 to index
      %get3A_395 = memref.load %arg3[%get3A_394] : memref<3072xi32, #tpu.memory_space<smem>>
      %gt3A_396 = vector.broadcast %get3A_393 : i32 to vector<24x128xi32>
      %gt3A_397 = arith.cmpi sgt, %gt3A_396, %get3A_1 : vector<24x128xi32>
      %eq3A_398 = vector.broadcast %get3A_393 : i32 to vector<24x128xi32>
      %eq3A_399 = arith.cmpi eq, %eq3A_398, %get3A_1 : vector<24x128xi32>
      %lt3A_400 = vector.broadcast %get3A_395 : i32 to vector<24x128xi32>
      %lt3A_401 = arith.cmpi slt, %lt3A_400, %get3A_4 : vector<24x128xi32>
      %and3A_402 = arith.andi %eq3A_399, %lt3A_401 : vector<24x128xi1>
      %or3A_403 = arith.ori %gt3A_397, %and3A_402 : vector<24x128xi1>
      %convert_element_type3A_404 = arith.extui %or3A_403 : vector<24x128xi1> to vector<24x128xi32>
      %add3A_405 = arith.addi %add3A_389, %convert_element_type3A_404 : vector<24x128xi32>
      %scan3A_406 = arith.constant 7 : i32
      %scan3A_407 = arith.addi %scan3A_298, %scan3A_406 : i32
      %get3A_408 = arith.index_cast %scan3A_407 : i32 to index
      %get3A_409 = memref.load %arg2[%get3A_408] : memref<3072xi32, #tpu.memory_space<smem>>
      %get3A_410 = arith.index_cast %scan3A_407 : i32 to index
      %get3A_411 = memref.load %arg3[%get3A_410] : memref<3072xi32, #tpu.memory_space<smem>>
      %gt3A_412 = vector.broadcast %get3A_409 : i32 to vector<24x128xi32>
      %gt3A_413 = arith.cmpi sgt, %gt3A_412, %get3A_1 : vector<24x128xi32>
      %eq3A_414 = vector.broadcast %get3A_409 : i32 to vector<24x128xi32>
      %eq3A_415 = arith.cmpi eq, %eq3A_414, %get3A_1 : vector<24x128xi32>
      %lt3A_416 = vector.broadcast %get3A_411 : i32 to vector<24x128xi32>
      %lt3A_417 = arith.cmpi slt, %lt3A_416, %get3A_4 : vector<24x128xi32>
      %and3A_418 = arith.andi %eq3A_415, %lt3A_417 : vector<24x128xi1>
      %or3A_419 = arith.ori %gt3A_413, %and3A_418 : vector<24x128xi1>
      %convert_element_type3A_420 = arith.extui %or3A_419 : vector<24x128xi1> to vector<24x128xi32>
      %add3A_421 = arith.addi %add3A_405, %convert_element_type3A_420 : vector<24x128xi32>
      scf.yield %add3A_421 : vector<24x128xi32>
    }
    %scan3A_10 = arith.constant 3072 : i32
    %iota3A = tpu.iota {dimensions = array<i32: 1>} : vector<1x1024xi32>
    %broadcast_in_dim3A_11 = arith.constant 0.000000e+00 : f32
    %broadcast_in_dim3A_12 = vector.broadcast %broadcast_in_dim3A_11 : f32 to vector<1x1024xf32>
    %slice3A = vector.extract_strided_slice %scan3A_9 {offsets = [0, 0], sizes = [1, 128], strides = [1, 1]} : vector<24x128xi32> to vector<1x128xi32>
    %transpose3A = tpu.transpose %slice3A, [1, 0] : vector<1x128xi32> -> vector<128x1xi32>
    %eq3A = vector.broadcast %transpose3A : vector<128x1xi32> to vector<128x1024xi32>
    %eq3A_13 = vector.broadcast %iota3A : vector<1x1024xi32> to vector<128x1024xi32>
    %eq3A_14 = arith.cmpi eq, %eq3A, %eq3A_13 : vector<128x1024xi32>
    %convert_element_type3A = arith.extui %eq3A_14 : vector<128x1024xi1> to vector<128x1024xi32>
    %convert_element_type3A_15 = arith.sitofp %convert_element_type3A : vector<128x1024xi32> to vector<128x1024xf32>
    %slice3A_16 = vector.extract_strided_slice %get3A_4 {offsets = [0, 0], sizes = [1, 128], strides = [1, 1]} : vector<24x128xi32> to vector<1x128xi32>
    %convert_element_type3A_17 = arith.sitofp %slice3A_16 : vector<1x128xi32> to vector<1x128xf32>
    %dot_general3A = arith.constant dense<0.000000e+00> : vector<1x1024xf32>
    %dot_general3A_18 = tpu.matmul %convert_element_type3A_17, %convert_element_type3A_15, %dot_general3A {dimension_numbers = #tpu.dot_dimension_numbers<[1], [0], [0], [1], [0, 0, 1, 1], [], []>, precision = #tpu.contract_precision<fp32>, transpose_lhs_hint = false} : vector<1x128xf32>, vector<128x1024xf32>, vector<1x1024xf32> -> vector<1x1024xf32>
    %add3A = arith.addf %broadcast_in_dim3A_12, %dot_general3A_18 : vector<1x1024xf32>
    %slice3A_19 = vector.extract_strided_slice %scan3A_9 {offsets = [1, 0], sizes = [1, 128], strides = [1, 1]} : vector<24x128xi32> to vector<1x128xi32>
    %transpose3A_20 = tpu.transpose %slice3A_19, [1, 0] : vector<1x128xi32> -> vector<128x1xi32>
    %eq3A_21 = vector.broadcast %transpose3A_20 : vector<128x1xi32> to vector<128x1024xi32>
    %eq3A_22 = vector.broadcast %iota3A : vector<1x1024xi32> to vector<128x1024xi32>
    %eq3A_23 = arith.cmpi eq, %eq3A_21, %eq3A_22 : vector<128x1024xi32>
    %convert_element_type3A_24 = arith.extui %eq3A_23 : vector<128x1024xi1> to vector<128x1024xi32>
    %convert_element_type3A_25 = arith.sitofp %convert_element_type3A_24 : vector<128x1024xi32> to vector<128x1024xf32>
    %slice3A_26 = vector.extract_strided_slice %get3A_4 {offsets = [1, 0], sizes = [1, 128], strides = [1, 1]} : vector<24x128xi32> to vector<1x128xi32>
    %convert_element_type3A_27 = arith.sitofp %slice3A_26 : vector<1x128xi32> to vector<1x128xf32>
    %dot_general3A_28 = arith.constant dense<0.000000e+00> : vector<1x1024xf32>
    %dot_general3A_29 = tpu.matmul %convert_element_type3A_27, %convert_element_type3A_25, %dot_general3A_28 {dimension_numbers = #tpu.dot_dimension_numbers<[1], [0], [0], [1], [0, 0, 1, 1], [], []>, precision = #tpu.contract_precision<fp32>, transpose_lhs_hint = false} : vector<1x128xf32>, vector<128x1024xf32>, vector<1x1024xf32> -> vector<1x1024xf32>
    %add3A_30 = arith.addf %add3A, %dot_general3A_29 : vector<1x1024xf32>
    %slice3A_31 = vector.extract_strided_slice %scan3A_9 {offsets = [2, 0], sizes = [1, 128], strides = [1, 1]} : vector<24x128xi32> to vector<1x128xi32>
    %transpose3A_32 = tpu.transpose %slice3A_31, [1, 0] : vector<1x128xi32> -> vector<128x1xi32>
    %eq3A_33 = vector.broadcast %transpose3A_32 : vector<128x1xi32> to vector<128x1024xi32>
    %eq3A_34 = vector.broadcast %iota3A : vector<1x1024xi32> to vector<128x1024xi32>
    %eq3A_35 = arith.cmpi eq, %eq3A_33, %eq3A_34 : vector<128x1024xi32>
    %convert_element_type3A_36 = arith.extui %eq3A_35 : vector<128x1024xi1> to vector<128x1024xi32>
    %convert_element_type3A_37 = arith.sitofp %convert_element_type3A_36 : vector<128x1024xi32> to vector<128x1024xf32>
    %slice3A_38 = vector.extract_strided_slice %get3A_4 {offsets = [2, 0], sizes = [1, 128], strides = [1, 1]} : vector<24x128xi32> to vector<1x128xi32>
    %convert_element_type3A_39 = arith.sitofp %slice3A_38 : vector<1x128xi32> to vector<1x128xf32>
    %dot_general3A_40 = arith.constant dense<0.000000e+00> : vector<1x1024xf32>
    %dot_general3A_41 = tpu.matmul %convert_element_type3A_39, %convert_element_type3A_37, %dot_general3A_40 {dimension_numbers = #tpu.dot_dimension_numbers<[1], [0], [0], [1], [0, 0, 1, 1], [], []>, precision = #tpu.contract_precision<fp32>, transpose_lhs_hint = false} : vector<1x128xf32>, vector<128x1024xf32>, vector<1x1024xf32> -> vector<1x1024xf32>
    %add3A_42 = arith.addf %add3A_30, %dot_general3A_41 : vector<1x1024xf32>
    %slice3A_43 = vector.extract_strided_slice %scan3A_9 {offsets = [3, 0], sizes = [1, 128], strides = [1, 1]} : vector<24x128xi32> to vector<1x128xi32>
    %transpose3A_44 = tpu.transpose %slice3A_43, [1, 0] : vector<1x128xi32> -> vector<128x1xi32>
    %eq3A_45 = vector.broadcast %transpose3A_44 : vector<128x1xi32> to vector<128x1024xi32>
    %eq3A_46 = vector.broadcast %iota3A : vector<1x1024xi32> to vector<128x1024xi32>
    %eq3A_47 = arith.cmpi eq, %eq3A_45, %eq3A_46 : vector<128x1024xi32>
    %convert_element_type3A_48 = arith.extui %eq3A_47 : vector<128x1024xi1> to vector<128x1024xi32>
    %convert_element_type3A_49 = arith.sitofp %convert_element_type3A_48 : vector<128x1024xi32> to vector<128x1024xf32>
    %slice3A_50 = vector.extract_strided_slice %get3A_4 {offsets = [3, 0], sizes = [1, 128], strides = [1, 1]} : vector<24x128xi32> to vector<1x128xi32>
    %convert_element_type3A_51 = arith.sitofp %slice3A_50 : vector<1x128xi32> to vector<1x128xf32>
    %dot_general3A_52 = arith.constant dense<0.000000e+00> : vector<1x1024xf32>
    %dot_general3A_53 = tpu.matmul %convert_element_type3A_51, %convert_element_type3A_49, %dot_general3A_52 {dimension_numbers = #tpu.dot_dimension_numbers<[1], [0], [0], [1], [0, 0, 1, 1], [], []>, precision = #tpu.contract_precision<fp32>, transpose_lhs_hint = false} : vector<1x128xf32>, vector<128x1024xf32>, vector<1x1024xf32> -> vector<1x1024xf32>
    %add3A_54 = arith.addf %add3A_42, %dot_general3A_53 : vector<1x1024xf32>
    %slice3A_55 = vector.extract_strided_slice %scan3A_9 {offsets = [4, 0], sizes = [1, 128], strides = [1, 1]} : vector<24x128xi32> to vector<1x128xi32>
    %transpose3A_56 = tpu.transpose %slice3A_55, [1, 0] : vector<1x128xi32> -> vector<128x1xi32>
    %eq3A_57 = vector.broadcast %transpose3A_56 : vector<128x1xi32> to vector<128x1024xi32>
    %eq3A_58 = vector.broadcast %iota3A : vector<1x1024xi32> to vector<128x1024xi32>
    %eq3A_59 = arith.cmpi eq, %eq3A_57, %eq3A_58 : vector<128x1024xi32>
    %convert_element_type3A_60 = arith.extui %eq3A_59 : vector<128x1024xi1> to vector<128x1024xi32>
    %convert_element_type3A_61 = arith.sitofp %convert_element_type3A_60 : vector<128x1024xi32> to vector<128x1024xf32>
    %slice3A_62 = vector.extract_strided_slice %get3A_4 {offsets = [4, 0], sizes = [1, 128], strides = [1, 1]} : vector<24x128xi32> to vector<1x128xi32>
    %convert_element_type3A_63 = arith.sitofp %slice3A_62 : vector<1x128xi32> to vector<1x128xf32>
    %dot_general3A_64 = arith.constant dense<0.000000e+00> : vector<1x1024xf32>
    %dot_general3A_65 = tpu.matmul %convert_element_type3A_63, %convert_element_type3A_61, %dot_general3A_64 {dimension_numbers = #tpu.dot_dimension_numbers<[1], [0], [0], [1], [0, 0, 1, 1], [], []>, precision = #tpu.contract_precision<fp32>, transpose_lhs_hint = false} : vector<1x128xf32>, vector<128x1024xf32>, vector<1x1024xf32> -> vector<1x1024xf32>
    %add3A_66 = arith.addf %add3A_54, %dot_general3A_65 : vector<1x1024xf32>
    %slice3A_67 = vector.extract_strided_slice %scan3A_9 {offsets = [5, 0], sizes = [1, 128], strides = [1, 1]} : vector<24x128xi32> to vector<1x128xi32>
    %transpose3A_68 = tpu.transpose %slice3A_67, [1, 0] : vector<1x128xi32> -> vector<128x1xi32>
    %eq3A_69 = vector.broadcast %transpose3A_68 : vector<128x1xi32> to vector<128x1024xi32>
    %eq3A_70 = vector.broadcast %iota3A : vector<1x1024xi32> to vector<128x1024xi32>
    %eq3A_71 = arith.cmpi eq, %eq3A_69, %eq3A_70 : vector<128x1024xi32>
    %convert_element_type3A_72 = arith.extui %eq3A_71 : vector<128x1024xi1> to vector<128x1024xi32>
    %convert_element_type3A_73 = arith.sitofp %convert_element_type3A_72 : vector<128x1024xi32> to vector<128x1024xf32>
    %slice3A_74 = vector.extract_strided_slice %get3A_4 {offsets = [5, 0], sizes = [1, 128], strides = [1, 1]} : vector<24x128xi32> to vector<1x128xi32>
    %convert_element_type3A_75 = arith.sitofp %slice3A_74 : vector<1x128xi32> to vector<1x128xf32>
    %dot_general3A_76 = arith.constant dense<0.000000e+00> : vector<1x1024xf32>
    %dot_general3A_77 = tpu.matmul %convert_element_type3A_75, %convert_element_type3A_73, %dot_general3A_76 {dimension_numbers = #tpu.dot_dimension_numbers<[1], [0], [0], [1], [0, 0, 1, 1], [], []>, precision = #tpu.contract_precision<fp32>, transpose_lhs_hint = false} : vector<1x128xf32>, vector<128x1024xf32>, vector<1x1024xf32> -> vector<1x1024xf32>
    %add3A_78 = arith.addf %add3A_66, %dot_general3A_77 : vector<1x1024xf32>
    %slice3A_79 = vector.extract_strided_slice %scan3A_9 {offsets = [6, 0], sizes = [1, 128], strides = [1, 1]} : vector<24x128xi32> to vector<1x128xi32>
    %transpose3A_80 = tpu.transpose %slice3A_79, [1, 0] : vector<1x128xi32> -> vector<128x1xi32>
    %eq3A_81 = vector.broadcast %transpose3A_80 : vector<128x1xi32> to vector<128x1024xi32>
    %eq3A_82 = vector.broadcast %iota3A : vector<1x1024xi32> to vector<128x1024xi32>
    %eq3A_83 = arith.cmpi eq, %eq3A_81, %eq3A_82 : vector<128x1024xi32>
    %convert_element_type3A_84 = arith.extui %eq3A_83 : vector<128x1024xi1> to vector<128x1024xi32>
    %convert_element_type3A_85 = arith.sitofp %convert_element_type3A_84 : vector<128x1024xi32> to vector<128x1024xf32>
    %slice3A_86 = vector.extract_strided_slice %get3A_4 {offsets = [6, 0], sizes = [1, 128], strides = [1, 1]} : vector<24x128xi32> to vector<1x128xi32>
    %convert_element_type3A_87 = arith.sitofp %slice3A_86 : vector<1x128xi32> to vector<1x128xf32>
    %dot_general3A_88 = arith.constant dense<0.000000e+00> : vector<1x1024xf32>
    %dot_general3A_89 = tpu.matmul %convert_element_type3A_87, %convert_element_type3A_85, %dot_general3A_88 {dimension_numbers = #tpu.dot_dimension_numbers<[1], [0], [0], [1], [0, 0, 1, 1], [], []>, precision = #tpu.contract_precision<fp32>, transpose_lhs_hint = false} : vector<1x128xf32>, vector<128x1024xf32>, vector<1x1024xf32> -> vector<1x1024xf32>
    %add3A_90 = arith.addf %add3A_78, %dot_general3A_89 : vector<1x1024xf32>
    %slice3A_91 = vector.extract_strided_slice %scan3A_9 {offsets = [7, 0], sizes = [1, 128], strides = [1, 1]} : vector<24x128xi32> to vector<1x128xi32>
    %transpose3A_92 = tpu.transpose %slice3A_91, [1, 0] : vector<1x128xi32> -> vector<128x1xi32>
    %eq3A_93 = vector.broadcast %transpose3A_92 : vector<128x1xi32> to vector<128x1024xi32>
    %eq3A_94 = vector.broadcast %iota3A : vector<1x1024xi32> to vector<128x1024xi32>
    %eq3A_95 = arith.cmpi eq, %eq3A_93, %eq3A_94 : vector<128x1024xi32>
    %convert_element_type3A_96 = arith.extui %eq3A_95 : vector<128x1024xi1> to vector<128x1024xi32>
    %convert_element_type3A_97 = arith.sitofp %convert_element_type3A_96 : vector<128x1024xi32> to vector<128x1024xf32>
    %slice3A_98 = vector.extract_strided_slice %get3A_4 {offsets = [7, 0], sizes = [1, 128], strides = [1, 1]} : vector<24x128xi32> to vector<1x128xi32>
    %convert_element_type3A_99 = arith.sitofp %slice3A_98 : vector<1x128xi32> to vector<1x128xf32>
    %dot_general3A_100 = arith.constant dense<0.000000e+00> : vector<1x1024xf32>
    %dot_general3A_101 = tpu.matmul %convert_element_type3A_99, %convert_element_type3A_97, %dot_general3A_100 {dimension_numbers = #tpu.dot_dimension_numbers<[1], [0], [0], [1], [0, 0, 1, 1], [], []>, precision = #tpu.contract_precision<fp32>, transpose_lhs_hint = false} : vector<1x128xf32>, vector<128x1024xf32>, vector<1x1024xf32> -> vector<1x1024xf32>
    %add3A_102 = arith.addf %add3A_90, %dot_general3A_101 : vector<1x1024xf32>
    %slice3A_103 = vector.extract_strided_slice %scan3A_9 {offsets = [8, 0], sizes = [1, 128], strides = [1, 1]} : vector<24x128xi32> to vector<1x128xi32>
    %transpose3A_104 = tpu.transpose %slice3A_103, [1, 0] : vector<1x128xi32> -> vector<128x1xi32>
    %eq3A_105 = vector.broadcast %transpose3A_104 : vector<128x1xi32> to vector<128x1024xi32>
    %eq3A_106 = vector.broadcast %iota3A : vector<1x1024xi32> to vector<128x1024xi32>
    %eq3A_107 = arith.cmpi eq, %eq3A_105, %eq3A_106 : vector<128x1024xi32>
    %convert_element_type3A_108 = arith.extui %eq3A_107 : vector<128x1024xi1> to vector<128x1024xi32>
    %convert_element_type3A_109 = arith.sitofp %convert_element_type3A_108 : vector<128x1024xi32> to vector<128x1024xf32>
    %slice3A_110 = vector.extract_strided_slice %get3A_4 {offsets = [8, 0], sizes = [1, 128], strides = [1, 1]} : vector<24x128xi32> to vector<1x128xi32>
    %convert_element_type3A_111 = arith.sitofp %slice3A_110 : vector<1x128xi32> to vector<1x128xf32>
    %dot_general3A_112 = arith.constant dense<0.000000e+00> : vector<1x1024xf32>
    %dot_general3A_113 = tpu.matmul %convert_element_type3A_111, %convert_element_type3A_109, %dot_general3A_112 {dimension_numbers = #tpu.dot_dimension_numbers<[1], [0], [0], [1], [0, 0, 1, 1], [], []>, precision = #tpu.contract_precision<fp32>, transpose_lhs_hint = false} : vector<1x128xf32>, vector<128x1024xf32>, vector<1x1024xf32> -> vector<1x1024xf32>
    %add3A_114 = arith.addf %add3A_102, %dot_general3A_113 : vector<1x1024xf32>
    %slice3A_115 = vector.extract_strided_slice %scan3A_9 {offsets = [9, 0], sizes = [1, 128], strides = [1, 1]} : vector<24x128xi32> to vector<1x128xi32>
    %transpose3A_116 = tpu.transpose %slice3A_115, [1, 0] : vector<1x128xi32> -> vector<128x1xi32>
    %eq3A_117 = vector.broadcast %transpose3A_116 : vector<128x1xi32> to vector<128x1024xi32>
    %eq3A_118 = vector.broadcast %iota3A : vector<1x1024xi32> to vector<128x1024xi32>
    %eq3A_119 = arith.cmpi eq, %eq3A_117, %eq3A_118 : vector<128x1024xi32>
    %convert_element_type3A_120 = arith.extui %eq3A_119 : vector<128x1024xi1> to vector<128x1024xi32>
    %convert_element_type3A_121 = arith.sitofp %convert_element_type3A_120 : vector<128x1024xi32> to vector<128x1024xf32>
    %slice3A_122 = vector.extract_strided_slice %get3A_4 {offsets = [9, 0], sizes = [1, 128], strides = [1, 1]} : vector<24x128xi32> to vector<1x128xi32>
    %convert_element_type3A_123 = arith.sitofp %slice3A_122 : vector<1x128xi32> to vector<1x128xf32>
    %dot_general3A_124 = arith.constant dense<0.000000e+00> : vector<1x1024xf32>
    %dot_general3A_125 = tpu.matmul %convert_element_type3A_123, %convert_element_type3A_121, %dot_general3A_124 {dimension_numbers = #tpu.dot_dimension_numbers<[1], [0], [0], [1], [0, 0, 1, 1], [], []>, precision = #tpu.contract_precision<fp32>, transpose_lhs_hint = false} : vector<1x128xf32>, vector<128x1024xf32>, vector<1x1024xf32> -> vector<1x1024xf32>
    %add3A_126 = arith.addf %add3A_114, %dot_general3A_125 : vector<1x1024xf32>
    %slice3A_127 = vector.extract_strided_slice %scan3A_9 {offsets = [10, 0], sizes = [1, 128], strides = [1, 1]} : vector<24x128xi32> to vector<1x128xi32>
    %transpose3A_128 = tpu.transpose %slice3A_127, [1, 0] : vector<1x128xi32> -> vector<128x1xi32>
    %eq3A_129 = vector.broadcast %transpose3A_128 : vector<128x1xi32> to vector<128x1024xi32>
    %eq3A_130 = vector.broadcast %iota3A : vector<1x1024xi32> to vector<128x1024xi32>
    %eq3A_131 = arith.cmpi eq, %eq3A_129, %eq3A_130 : vector<128x1024xi32>
    %convert_element_type3A_132 = arith.extui %eq3A_131 : vector<128x1024xi1> to vector<128x1024xi32>
    %convert_element_type3A_133 = arith.sitofp %convert_element_type3A_132 : vector<128x1024xi32> to vector<128x1024xf32>
    %slice3A_134 = vector.extract_strided_slice %get3A_4 {offsets = [10, 0], sizes = [1, 128], strides = [1, 1]} : vector<24x128xi32> to vector<1x128xi32>
    %convert_element_type3A_135 = arith.sitofp %slice3A_134 : vector<1x128xi32> to vector<1x128xf32>
    %dot_general3A_136 = arith.constant dense<0.000000e+00> : vector<1x1024xf32>
    %dot_general3A_137 = tpu.matmul %convert_element_type3A_135, %convert_element_type3A_133, %dot_general3A_136 {dimension_numbers = #tpu.dot_dimension_numbers<[1], [0], [0], [1], [0, 0, 1, 1], [], []>, precision = #tpu.contract_precision<fp32>, transpose_lhs_hint = false} : vector<1x128xf32>, vector<128x1024xf32>, vector<1x1024xf32> -> vector<1x1024xf32>
    %add3A_138 = arith.addf %add3A_126, %dot_general3A_137 : vector<1x1024xf32>
    %slice3A_139 = vector.extract_strided_slice %scan3A_9 {offsets = [11, 0], sizes = [1, 128], strides = [1, 1]} : vector<24x128xi32> to vector<1x128xi32>
    %transpose3A_140 = tpu.transpose %slice3A_139, [1, 0] : vector<1x128xi32> -> vector<128x1xi32>
    %eq3A_141 = vector.broadcast %transpose3A_140 : vector<128x1xi32> to vector<128x1024xi32>
    %eq3A_142 = vector.broadcast %iota3A : vector<1x1024xi32> to vector<128x1024xi32>
    %eq3A_143 = arith.cmpi eq, %eq3A_141, %eq3A_142 : vector<128x1024xi32>
    %convert_element_type3A_144 = arith.extui %eq3A_143 : vector<128x1024xi1> to vector<128x1024xi32>
    %convert_element_type3A_145 = arith.sitofp %convert_element_type3A_144 : vector<128x1024xi32> to vector<128x1024xf32>
    %slice3A_146 = vector.extract_strided_slice %get3A_4 {offsets = [11, 0], sizes = [1, 128], strides = [1, 1]} : vector<24x128xi32> to vector<1x128xi32>
    %convert_element_type3A_147 = arith.sitofp %slice3A_146 : vector<1x128xi32> to vector<1x128xf32>
    %dot_general3A_148 = arith.constant dense<0.000000e+00> : vector<1x1024xf32>
    %dot_general3A_149 = tpu.matmul %convert_element_type3A_147, %convert_element_type3A_145, %dot_general3A_148 {dimension_numbers = #tpu.dot_dimension_numbers<[1], [0], [0], [1], [0, 0, 1, 1], [], []>, precision = #tpu.contract_precision<fp32>, transpose_lhs_hint = false} : vector<1x128xf32>, vector<128x1024xf32>, vector<1x1024xf32> -> vector<1x1024xf32>
    %add3A_150 = arith.addf %add3A_138, %dot_general3A_149 : vector<1x1024xf32>
    %slice3A_151 = vector.extract_strided_slice %scan3A_9 {offsets = [12, 0], sizes = [1, 128], strides = [1, 1]} : vector<24x128xi32> to vector<1x128xi32>
    %transpose3A_152 = tpu.transpose %slice3A_151, [1, 0] : vector<1x128xi32> -> vector<128x1xi32>
    %eq3A_153 = vector.broadcast %transpose3A_152 : vector<128x1xi32> to vector<128x1024xi32>
    %eq3A_154 = vector.broadcast %iota3A : vector<1x1024xi32> to vector<128x1024xi32>
    %eq3A_155 = arith.cmpi eq, %eq3A_153, %eq3A_154 : vector<128x1024xi32>
    %convert_element_type3A_156 = arith.extui %eq3A_155 : vector<128x1024xi1> to vector<128x1024xi32>
    %convert_element_type3A_157 = arith.sitofp %convert_element_type3A_156 : vector<128x1024xi32> to vector<128x1024xf32>
    %slice3A_158 = vector.extract_strided_slice %get3A_4 {offsets = [12, 0], sizes = [1, 128], strides = [1, 1]} : vector<24x128xi32> to vector<1x128xi32>
    %convert_element_type3A_159 = arith.sitofp %slice3A_158 : vector<1x128xi32> to vector<1x128xf32>
    %dot_general3A_160 = arith.constant dense<0.000000e+00> : vector<1x1024xf32>
    %dot_general3A_161 = tpu.matmul %convert_element_type3A_159, %convert_element_type3A_157, %dot_general3A_160 {dimension_numbers = #tpu.dot_dimension_numbers<[1], [0], [0], [1], [0, 0, 1, 1], [], []>, precision = #tpu.contract_precision<fp32>, transpose_lhs_hint = false} : vector<1x128xf32>, vector<128x1024xf32>, vector<1x1024xf32> -> vector<1x1024xf32>
    %add3A_162 = arith.addf %add3A_150, %dot_general3A_161 : vector<1x1024xf32>
    %slice3A_163 = vector.extract_strided_slice %scan3A_9 {offsets = [13, 0], sizes = [1, 128], strides = [1, 1]} : vector<24x128xi32> to vector<1x128xi32>
    %transpose3A_164 = tpu.transpose %slice3A_163, [1, 0] : vector<1x128xi32> -> vector<128x1xi32>
    %eq3A_165 = vector.broadcast %transpose3A_164 : vector<128x1xi32> to vector<128x1024xi32>
    %eq3A_166 = vector.broadcast %iota3A : vector<1x1024xi32> to vector<128x1024xi32>
    %eq3A_167 = arith.cmpi eq, %eq3A_165, %eq3A_166 : vector<128x1024xi32>
    %convert_element_type3A_168 = arith.extui %eq3A_167 : vector<128x1024xi1> to vector<128x1024xi32>
    %convert_element_type3A_169 = arith.sitofp %convert_element_type3A_168 : vector<128x1024xi32> to vector<128x1024xf32>
    %slice3A_170 = vector.extract_strided_slice %get3A_4 {offsets = [13, 0], sizes = [1, 128], strides = [1, 1]} : vector<24x128xi32> to vector<1x128xi32>
    %convert_element_type3A_171 = arith.sitofp %slice3A_170 : vector<1x128xi32> to vector<1x128xf32>
    %dot_general3A_172 = arith.constant dense<0.000000e+00> : vector<1x1024xf32>
    %dot_general3A_173 = tpu.matmul %convert_element_type3A_171, %convert_element_type3A_169, %dot_general3A_172 {dimension_numbers = #tpu.dot_dimension_numbers<[1], [0], [0], [1], [0, 0, 1, 1], [], []>, precision = #tpu.contract_precision<fp32>, transpose_lhs_hint = false} : vector<1x128xf32>, vector<128x1024xf32>, vector<1x1024xf32> -> vector<1x1024xf32>
    %add3A_174 = arith.addf %add3A_162, %dot_general3A_173 : vector<1x1024xf32>
    %slice3A_175 = vector.extract_strided_slice %scan3A_9 {offsets = [14, 0], sizes = [1, 128], strides = [1, 1]} : vector<24x128xi32> to vector<1x128xi32>
    %transpose3A_176 = tpu.transpose %slice3A_175, [1, 0] : vector<1x128xi32> -> vector<128x1xi32>
    %eq3A_177 = vector.broadcast %transpose3A_176 : vector<128x1xi32> to vector<128x1024xi32>
    %eq3A_178 = vector.broadcast %iota3A : vector<1x1024xi32> to vector<128x1024xi32>
    %eq3A_179 = arith.cmpi eq, %eq3A_177, %eq3A_178 : vector<128x1024xi32>
    %convert_element_type3A_180 = arith.extui %eq3A_179 : vector<128x1024xi1> to vector<128x1024xi32>
    %convert_element_type3A_181 = arith.sitofp %convert_element_type3A_180 : vector<128x1024xi32> to vector<128x1024xf32>
    %slice3A_182 = vector.extract_strided_slice %get3A_4 {offsets = [14, 0], sizes = [1, 128], strides = [1, 1]} : vector<24x128xi32> to vector<1x128xi32>
    %convert_element_type3A_183 = arith.sitofp %slice3A_182 : vector<1x128xi32> to vector<1x128xf32>
    %dot_general3A_184 = arith.constant dense<0.000000e+00> : vector<1x1024xf32>
    %dot_general3A_185 = tpu.matmul %convert_element_type3A_183, %convert_element_type3A_181, %dot_general3A_184 {dimension_numbers = #tpu.dot_dimension_numbers<[1], [0], [0], [1], [0, 0, 1, 1], [], []>, precision = #tpu.contract_precision<fp32>, transpose_lhs_hint = false} : vector<1x128xf32>, vector<128x1024xf32>, vector<1x1024xf32> -> vector<1x1024xf32>
    %add3A_186 = arith.addf %add3A_174, %dot_general3A_185 : vector<1x1024xf32>
    %slice3A_187 = vector.extract_strided_slice %scan3A_9 {offsets = [15, 0], sizes = [1, 128], strides = [1, 1]} : vector<24x128xi32> to vector<1x128xi32>
    %transpose3A_188 = tpu.transpose %slice3A_187, [1, 0] : vector<1x128xi32> -> vector<128x1xi32>
    %eq3A_189 = vector.broadcast %transpose3A_188 : vector<128x1xi32> to vector<128x1024xi32>
    %eq3A_190 = vector.broadcast %iota3A : vector<1x1024xi32> to vector<128x1024xi32>
    %eq3A_191 = arith.cmpi eq, %eq3A_189, %eq3A_190 : vector<128x1024xi32>
    %convert_element_type3A_192 = arith.extui %eq3A_191 : vector<128x1024xi1> to vector<128x1024xi32>
    %convert_element_type3A_193 = arith.sitofp %convert_element_type3A_192 : vector<128x1024xi32> to vector<128x1024xf32>
    %slice3A_194 = vector.extract_strided_slice %get3A_4 {offsets = [15, 0], sizes = [1, 128], strides = [1, 1]} : vector<24x128xi32> to vector<1x128xi32>
    %convert_element_type3A_195 = arith.sitofp %slice3A_194 : vector<1x128xi32> to vector<1x128xf32>
    %dot_general3A_196 = arith.constant dense<0.000000e+00> : vector<1x1024xf32>
    %dot_general3A_197 = tpu.matmul %convert_element_type3A_195, %convert_element_type3A_193, %dot_general3A_196 {dimension_numbers = #tpu.dot_dimension_numbers<[1], [0], [0], [1], [0, 0, 1, 1], [], []>, precision = #tpu.contract_precision<fp32>, transpose_lhs_hint = false} : vector<1x128xf32>, vector<128x1024xf32>, vector<1x1024xf32> -> vector<1x1024xf32>
    %add3A_198 = arith.addf %add3A_186, %dot_general3A_197 : vector<1x1024xf32>
    %slice3A_199 = vector.extract_strided_slice %scan3A_9 {offsets = [16, 0], sizes = [1, 128], strides = [1, 1]} : vector<24x128xi32> to vector<1x128xi32>
    %transpose3A_200 = tpu.transpose %slice3A_199, [1, 0] : vector<1x128xi32> -> vector<128x1xi32>
    %eq3A_201 = vector.broadcast %transpose3A_200 : vector<128x1xi32> to vector<128x1024xi32>
    %eq3A_202 = vector.broadcast %iota3A : vector<1x1024xi32> to vector<128x1024xi32>
    %eq3A_203 = arith.cmpi eq, %eq3A_201, %eq3A_202 : vector<128x1024xi32>
    %convert_element_type3A_204 = arith.extui %eq3A_203 : vector<128x1024xi1> to vector<128x1024xi32>
    %convert_element_type3A_205 = arith.sitofp %convert_element_type3A_204 : vector<128x1024xi32> to vector<128x1024xf32>
    %slice3A_206 = vector.extract_strided_slice %get3A_4 {offsets = [16, 0], sizes = [1, 128], strides = [1, 1]} : vector<24x128xi32> to vector<1x128xi32>
    %convert_element_type3A_207 = arith.sitofp %slice3A_206 : vector<1x128xi32> to vector<1x128xf32>
    %dot_general3A_208 = arith.constant dense<0.000000e+00> : vector<1x1024xf32>
    %dot_general3A_209 = tpu.matmul %convert_element_type3A_207, %convert_element_type3A_205, %dot_general3A_208 {dimension_numbers = #tpu.dot_dimension_numbers<[1], [0], [0], [1], [0, 0, 1, 1], [], []>, precision = #tpu.contract_precision<fp32>, transpose_lhs_hint = false} : vector<1x128xf32>, vector<128x1024xf32>, vector<1x1024xf32> -> vector<1x1024xf32>
    %add3A_210 = arith.addf %add3A_198, %dot_general3A_209 : vector<1x1024xf32>
    %slice3A_211 = vector.extract_strided_slice %scan3A_9 {offsets = [17, 0], sizes = [1, 128], strides = [1, 1]} : vector<24x128xi32> to vector<1x128xi32>
    %transpose3A_212 = tpu.transpose %slice3A_211, [1, 0] : vector<1x128xi32> -> vector<128x1xi32>
    %eq3A_213 = vector.broadcast %transpose3A_212 : vector<128x1xi32> to vector<128x1024xi32>
    %eq3A_214 = vector.broadcast %iota3A : vector<1x1024xi32> to vector<128x1024xi32>
    %eq3A_215 = arith.cmpi eq, %eq3A_213, %eq3A_214 : vector<128x1024xi32>
    %convert_element_type3A_216 = arith.extui %eq3A_215 : vector<128x1024xi1> to vector<128x1024xi32>
    %convert_element_type3A_217 = arith.sitofp %convert_element_type3A_216 : vector<128x1024xi32> to vector<128x1024xf32>
    %slice3A_218 = vector.extract_strided_slice %get3A_4 {offsets = [17, 0], sizes = [1, 128], strides = [1, 1]} : vector<24x128xi32> to vector<1x128xi32>
    %convert_element_type3A_219 = arith.sitofp %slice3A_218 : vector<1x128xi32> to vector<1x128xf32>
    %dot_general3A_220 = arith.constant dense<0.000000e+00> : vector<1x1024xf32>
    %dot_general3A_221 = tpu.matmul %convert_element_type3A_219, %convert_element_type3A_217, %dot_general3A_220 {dimension_numbers = #tpu.dot_dimension_numbers<[1], [0], [0], [1], [0, 0, 1, 1], [], []>, precision = #tpu.contract_precision<fp32>, transpose_lhs_hint = false} : vector<1x128xf32>, vector<128x1024xf32>, vector<1x1024xf32> -> vector<1x1024xf32>
    %add3A_222 = arith.addf %add3A_210, %dot_general3A_221 : vector<1x1024xf32>
    %slice3A_223 = vector.extract_strided_slice %scan3A_9 {offsets = [18, 0], sizes = [1, 128], strides = [1, 1]} : vector<24x128xi32> to vector<1x128xi32>
    %transpose3A_224 = tpu.transpose %slice3A_223, [1, 0] : vector<1x128xi32> -> vector<128x1xi32>
    %eq3A_225 = vector.broadcast %transpose3A_224 : vector<128x1xi32> to vector<128x1024xi32>
    %eq3A_226 = vector.broadcast %iota3A : vector<1x1024xi32> to vector<128x1024xi32>
    %eq3A_227 = arith.cmpi eq, %eq3A_225, %eq3A_226 : vector<128x1024xi32>
    %convert_element_type3A_228 = arith.extui %eq3A_227 : vector<128x1024xi1> to vector<128x1024xi32>
    %convert_element_type3A_229 = arith.sitofp %convert_element_type3A_228 : vector<128x1024xi32> to vector<128x1024xf32>
    %slice3A_230 = vector.extract_strided_slice %get3A_4 {offsets = [18, 0], sizes = [1, 128], strides = [1, 1]} : vector<24x128xi32> to vector<1x128xi32>
    %convert_element_type3A_231 = arith.sitofp %slice3A_230 : vector<1x128xi32> to vector<1x128xf32>
    %dot_general3A_232 = arith.constant dense<0.000000e+00> : vector<1x1024xf32>
    %dot_general3A_233 = tpu.matmul %convert_element_type3A_231, %convert_element_type3A_229, %dot_general3A_232 {dimension_numbers = #tpu.dot_dimension_numbers<[1], [0], [0], [1], [0, 0, 1, 1], [], []>, precision = #tpu.contract_precision<fp32>, transpose_lhs_hint = false} : vector<1x128xf32>, vector<128x1024xf32>, vector<1x1024xf32> -> vector<1x1024xf32>
    %add3A_234 = arith.addf %add3A_222, %dot_general3A_233 : vector<1x1024xf32>
    %slice3A_235 = vector.extract_strided_slice %scan3A_9 {offsets = [19, 0], sizes = [1, 128], strides = [1, 1]} : vector<24x128xi32> to vector<1x128xi32>
    %transpose3A_236 = tpu.transpose %slice3A_235, [1, 0] : vector<1x128xi32> -> vector<128x1xi32>
    %eq3A_237 = vector.broadcast %transpose3A_236 : vector<128x1xi32> to vector<128x1024xi32>
    %eq3A_238 = vector.broadcast %iota3A : vector<1x1024xi32> to vector<128x1024xi32>
    %eq3A_239 = arith.cmpi eq, %eq3A_237, %eq3A_238 : vector<128x1024xi32>
    %convert_element_type3A_240 = arith.extui %eq3A_239 : vector<128x1024xi1> to vector<128x1024xi32>
    %convert_element_type3A_241 = arith.sitofp %convert_element_type3A_240 : vector<128x1024xi32> to vector<128x1024xf32>
    %slice3A_242 = vector.extract_strided_slice %get3A_4 {offsets = [19, 0], sizes = [1, 128], strides = [1, 1]} : vector<24x128xi32> to vector<1x128xi32>
    %convert_element_type3A_243 = arith.sitofp %slice3A_242 : vector<1x128xi32> to vector<1x128xf32>
    %dot_general3A_244 = arith.constant dense<0.000000e+00> : vector<1x1024xf32>
    %dot_general3A_245 = tpu.matmul %convert_element_type3A_243, %convert_element_type3A_241, %dot_general3A_244 {dimension_numbers = #tpu.dot_dimension_numbers<[1], [0], [0], [1], [0, 0, 1, 1], [], []>, precision = #tpu.contract_precision<fp32>, transpose_lhs_hint = false} : vector<1x128xf32>, vector<128x1024xf32>, vector<1x1024xf32> -> vector<1x1024xf32>
    %add3A_246 = arith.addf %add3A_234, %dot_general3A_245 : vector<1x1024xf32>
    %slice3A_247 = vector.extract_strided_slice %scan3A_9 {offsets = [20, 0], sizes = [1, 128], strides = [1, 1]} : vector<24x128xi32> to vector<1x128xi32>
    %transpose3A_248 = tpu.transpose %slice3A_247, [1, 0] : vector<1x128xi32> -> vector<128x1xi32>
    %eq3A_249 = vector.broadcast %transpose3A_248 : vector<128x1xi32> to vector<128x1024xi32>
    %eq3A_250 = vector.broadcast %iota3A : vector<1x1024xi32> to vector<128x1024xi32>
    %eq3A_251 = arith.cmpi eq, %eq3A_249, %eq3A_250 : vector<128x1024xi32>
    %convert_element_type3A_252 = arith.extui %eq3A_251 : vector<128x1024xi1> to vector<128x1024xi32>
    %convert_element_type3A_253 = arith.sitofp %convert_element_type3A_252 : vector<128x1024xi32> to vector<128x1024xf32>
    %slice3A_254 = vector.extract_strided_slice %get3A_4 {offsets = [20, 0], sizes = [1, 128], strides = [1, 1]} : vector<24x128xi32> to vector<1x128xi32>
    %convert_element_type3A_255 = arith.sitofp %slice3A_254 : vector<1x128xi32> to vector<1x128xf32>
    %dot_general3A_256 = arith.constant dense<0.000000e+00> : vector<1x1024xf32>
    %dot_general3A_257 = tpu.matmul %convert_element_type3A_255, %convert_element_type3A_253, %dot_general3A_256 {dimension_numbers = #tpu.dot_dimension_numbers<[1], [0], [0], [1], [0, 0, 1, 1], [], []>, precision = #tpu.contract_precision<fp32>, transpose_lhs_hint = false} : vector<1x128xf32>, vector<128x1024xf32>, vector<1x1024xf32> -> vector<1x1024xf32>
    %add3A_258 = arith.addf %add3A_246, %dot_general3A_257 : vector<1x1024xf32>
    %slice3A_259 = vector.extract_strided_slice %scan3A_9 {offsets = [21, 0], sizes = [1, 128], strides = [1, 1]} : vector<24x128xi32> to vector<1x128xi32>
    %transpose3A_260 = tpu.transpose %slice3A_259, [1, 0] : vector<1x128xi32> -> vector<128x1xi32>
    %eq3A_261 = vector.broadcast %transpose3A_260 : vector<128x1xi32> to vector<128x1024xi32>
    %eq3A_262 = vector.broadcast %iota3A : vector<1x1024xi32> to vector<128x1024xi32>
    %eq3A_263 = arith.cmpi eq, %eq3A_261, %eq3A_262 : vector<128x1024xi32>
    %convert_element_type3A_264 = arith.extui %eq3A_263 : vector<128x1024xi1> to vector<128x1024xi32>
    %convert_element_type3A_265 = arith.sitofp %convert_element_type3A_264 : vector<128x1024xi32> to vector<128x1024xf32>
    %slice3A_266 = vector.extract_strided_slice %get3A_4 {offsets = [21, 0], sizes = [1, 128], strides = [1, 1]} : vector<24x128xi32> to vector<1x128xi32>
    %convert_element_type3A_267 = arith.sitofp %slice3A_266 : vector<1x128xi32> to vector<1x128xf32>
    %dot_general3A_268 = arith.constant dense<0.000000e+00> : vector<1x1024xf32>
    %dot_general3A_269 = tpu.matmul %convert_element_type3A_267, %convert_element_type3A_265, %dot_general3A_268 {dimension_numbers = #tpu.dot_dimension_numbers<[1], [0], [0], [1], [0, 0, 1, 1], [], []>, precision = #tpu.contract_precision<fp32>, transpose_lhs_hint = false} : vector<1x128xf32>, vector<128x1024xf32>, vector<1x1024xf32> -> vector<1x1024xf32>
    %add3A_270 = arith.addf %add3A_258, %dot_general3A_269 : vector<1x1024xf32>
    %slice3A_271 = vector.extract_strided_slice %scan3A_9 {offsets = [22, 0], sizes = [1, 128], strides = [1, 1]} : vector<24x128xi32> to vector<1x128xi32>
    %transpose3A_272 = tpu.transpose %slice3A_271, [1, 0] : vector<1x128xi32> -> vector<128x1xi32>
    %eq3A_273 = vector.broadcast %transpose3A_272 : vector<128x1xi32> to vector<128x1024xi32>
    %eq3A_274 = vector.broadcast %iota3A : vector<1x1024xi32> to vector<128x1024xi32>
    %eq3A_275 = arith.cmpi eq, %eq3A_273, %eq3A_274 : vector<128x1024xi32>
    %convert_element_type3A_276 = arith.extui %eq3A_275 : vector<128x1024xi1> to vector<128x1024xi32>
    %convert_element_type3A_277 = arith.sitofp %convert_element_type3A_276 : vector<128x1024xi32> to vector<128x1024xf32>
    %slice3A_278 = vector.extract_strided_slice %get3A_4 {offsets = [22, 0], sizes = [1, 128], strides = [1, 1]} : vector<24x128xi32> to vector<1x128xi32>
    %convert_element_type3A_279 = arith.sitofp %slice3A_278 : vector<1x128xi32> to vector<1x128xf32>
    %dot_general3A_280 = arith.constant dense<0.000000e+00> : vector<1x1024xf32>
    %dot_general3A_281 = tpu.matmul %convert_element_type3A_279, %convert_element_type3A_277, %dot_general3A_280 {dimension_numbers = #tpu.dot_dimension_numbers<[1], [0], [0], [1], [0, 0, 1, 1], [], []>, precision = #tpu.contract_precision<fp32>, transpose_lhs_hint = false} : vector<1x128xf32>, vector<128x1024xf32>, vector<1x1024xf32> -> vector<1x1024xf32>
    %add3A_282 = arith.addf %add3A_270, %dot_general3A_281 : vector<1x1024xf32>
    %slice3A_283 = vector.extract_strided_slice %scan3A_9 {offsets = [23, 0], sizes = [1, 128], strides = [1, 1]} : vector<24x128xi32> to vector<1x128xi32>
    %transpose3A_284 = tpu.transpose %slice3A_283, [1, 0] : vector<1x128xi32> -> vector<128x1xi32>
    %eq3A_285 = vector.broadcast %transpose3A_284 : vector<128x1xi32> to vector<128x1024xi32>
    %eq3A_286 = vector.broadcast %iota3A : vector<1x1024xi32> to vector<128x1024xi32>
    %eq3A_287 = arith.cmpi eq, %eq3A_285, %eq3A_286 : vector<128x1024xi32>
    %convert_element_type3A_288 = arith.extui %eq3A_287 : vector<128x1024xi1> to vector<128x1024xi32>
    %convert_element_type3A_289 = arith.sitofp %convert_element_type3A_288 : vector<128x1024xi32> to vector<128x1024xf32>
    %slice3A_290 = vector.extract_strided_slice %get3A_4 {offsets = [23, 0], sizes = [1, 128], strides = [1, 1]} : vector<24x128xi32> to vector<1x128xi32>
    %convert_element_type3A_291 = arith.sitofp %slice3A_290 : vector<1x128xi32> to vector<1x128xf32>
    %dot_general3A_292 = arith.constant dense<0.000000e+00> : vector<1x1024xf32>
    %dot_general3A_293 = tpu.matmul %convert_element_type3A_291, %convert_element_type3A_289, %dot_general3A_292 {dimension_numbers = #tpu.dot_dimension_numbers<[1], [0], [0], [1], [0, 0, 1, 1], [], []>, precision = #tpu.contract_precision<fp32>, transpose_lhs_hint = false} : vector<1x128xf32>, vector<128x1024xf32>, vector<1x1024xf32> -> vector<1x1024xf32>
    %add3A_294 = arith.addf %add3A_282, %dot_general3A_293 : vector<1x1024xf32>
    %convert_element_type3A_295 = arith.fptosi %add3A_294 : vector<1x1024xf32> to vector<1x1024xi32>
    %swap3A = arith.constant 0 : index
    %swap3A_296 = arith.constant 0 : index
    %swap3A_297 = vector.load %arg4[%swap3A, %swap3A_296] : memref<1x1024xi32, #tpu.memory_space<vmem>>, vector<1x1024xi32>
    tpu.vector_store %arg4[%swap3A, %swap3A_296], %convert_element_type3A_295 {strides = array<i32>} : memref<1x1024xi32, #tpu.memory_space<vmem>>, vector<1x1024xi32>,
    return
  }
}

module attributes {stable_mosaic.version = 14 : i64} {
  func.func @_k1_body(%arg0: memref<8192x128xf32, #tpu.memory_space<vmem>>, %arg1: memref<8192x128xf32, #tpu.memory_space<vmem>>, %arg2: memref<8192x128xi32, #tpu.memory_space<vmem>>, %arg3: memref<8x128xi32, #tpu.memory_space<vmem>>) attributes {dimension_semantics = [], scalar_prefetch = 0 : i64, scratch_operands = 0 : i64, tpu.core_type = #tpu.core_type<tc>} {
    %get3A = arith.constant 0 : index
    %get3A_0 = arith.constant 0 : index
    %get3A_1 = vector.load %arg0[%get3A, %get3A_0] : memref<8192x128xf32, #tpu.memory_space<vmem>>, vector<8192x128xf32>
    %reduce_max3A = vector.shape_cast %get3A_1 : vector<8192x128xf32> to vector<1x8192x128xf32>
    %reduce_max3A_2 = arith.constant dense<0xFF800000> : vector<1xf32>
    %reduce_max3A_3 = vector.multi_reduction <maximumf>, %reduce_max3A, %reduce_max3A_2 [1, 2] : vector<1x8192x128xf32> to vector<1xf32>
    %reduce_max3A_4 = vector.shape_cast %reduce_max3A_3 : vector<1xf32> to vector<1x1x1xf32>
    %reduce_max3A_5 = vector.extract %reduce_max3A_4[0, 0, 0] : f32 from vector<1x1x1xf32>
    %scan3A = arith.constant 0 : i32
    %scan3A_6 = arith.constant 16 : i32
    %scan3A_7 = arith.addi %scan3A, %scan3A_6 : i32
    %scan3A_8 = arith.constant 1 : i32
    scf.for %scan3A_17 = %scan3A to %scan3A_7 step %scan3A_8  : i32 {
      %mul3A = arith.constant 512 : i32
      %mul3A_18 = arith.muli %scan3A_17, %mul3A : i32
      %get3A_19 = arith.index_cast %mul3A_18 : i32 to index
      %get3A_20 = arith.constant 0 : index
      %get3A_21 = vector.load %arg0[%get3A_19, %get3A_20] : memref<8192x128xf32, #tpu.memory_space<vmem>>, vector<512x128xf32>
      %mul3A_22 = arith.constant 512 : i32
      %mul3A_23 = arith.muli %scan3A_17, %mul3A_22 : i32
      %get3A_24 = arith.index_cast %mul3A_23 : i32 to index
      %get3A_25 = arith.constant 0 : index
      %get3A_26 = vector.load %arg1[%get3A_24, %get3A_25] : memref<8192x128xf32, #tpu.memory_space<vmem>>, vector<512x128xf32>
      %sub3A = vector.broadcast %reduce_max3A_5 : f32 to vector<512x128xf32>
      %sub3A_27 = arith.subf %get3A_21, %sub3A : vector<512x128xf32>
      %div3A = arith.divf %sub3A_27, %get3A_26 : vector<512x128xf32>
      %mul3A_28 = arith.constant 0.707106769 : f32
      %mul3A_29 = vector.broadcast %mul3A_28 : f32 to vector<512x128xf32>
      %mul3A_30 = arith.mulf %div3A, %mul3A_29 : vector<512x128xf32>
      %abs3A = math.absf %mul3A_30 : vector<512x128xf32>
      %mul3A_31 = arith.mulf %mul3A_30, %mul3A_30 : vector<512x128xf32>
      %mul3A_32 = arith.constant 7.85386146E-5 : f32
      %mul3A_33 = vector.broadcast %mul3A_32 : f32 to vector<512x128xf32>
      %mul3A_34 = arith.mulf %mul3A_31, %mul3A_33 : vector<512x128xf32>
      %add3A = arith.constant -8.0101937E-4 : f32
      %add3A_35 = vector.broadcast %add3A : f32 to vector<512x128xf32>
      %add3A_36 = arith.addf %mul3A_34, %add3A_35 : vector<512x128xf32>
      %mul3A_37 = arith.mulf %add3A_36, %mul3A_31 : vector<512x128xf32>
      %add3A_38 = arith.constant 0.00518832775 : f32
      %add3A_39 = vector.broadcast %add3A_38 : f32 to vector<512x128xf32>
      %add3A_40 = arith.addf %mul3A_37, %add3A_39 : vector<512x128xf32>
      %mul3A_41 = arith.mulf %add3A_40, %mul3A_31 : vector<512x128xf32>
      %add3A_42 = arith.constant -0.0268538129 : f32
      %add3A_43 = vector.broadcast %add3A_42 : f32 to vector<512x128xf32>
      %add3A_44 = arith.addf %mul3A_41, %add3A_43 : vector<512x128xf32>
      %mul3A_45 = arith.mulf %add3A_44, %mul3A_31 : vector<512x128xf32>
      %add3A_46 = arith.constant 0.112835854 : f32
      %add3A_47 = vector.broadcast %add3A_46 : f32 to vector<512x128xf32>
      %add3A_48 = arith.addf %mul3A_45, %add3A_47 : vector<512x128xf32>
      %mul3A_49 = arith.mulf %add3A_48, %mul3A_31 : vector<512x128xf32>
      %add3A_50 = arith.constant -0.37612626 : f32
      %add3A_51 = vector.broadcast %add3A_50 : f32 to vector<512x128xf32>
      %add3A_52 = arith.addf %mul3A_49, %add3A_51 : vector<512x128xf32>
      %mul3A_53 = arith.mulf %add3A_52, %mul3A_31 : vector<512x128xf32>
      %add3A_54 = arith.constant 1.12837911 : f32
      %add3A_55 = vector.broadcast %add3A_54 : f32 to vector<512x128xf32>
      %add3A_56 = arith.addf %mul3A_53, %add3A_55 : vector<512x128xf32>
      %mul3A_57 = arith.mulf %abs3A, %add3A_56 : vector<512x128xf32>
      %sub3A_58 = arith.constant 1.000000e+00 : f32
      %sub3A_59 = vector.broadcast %sub3A_58 : f32 to vector<512x128xf32>
      %sub3A_60 = arith.subf %sub3A_59, %mul3A_57 : vector<512x128xf32>
      %div3A_61 = arith.constant 1.000000e+00 : f32
      %div3A_62 = vector.broadcast %div3A_61 : f32 to vector<512x128xf32>
      %div3A_63 = arith.divf %div3A_62, %mul3A_31 : vector<512x128xf32>
      %lt3A = arith.constant 2.000000e+00 : f32
      %lt3A_64 = vector.broadcast %lt3A : f32 to vector<512x128xf32>
      %lt3A_65 = arith.cmpf olt, %abs3A, %lt3A_64 : vector<512x128xf32>
      %mul3A_66 = arith.constant 2.326820e-02 : f32
      %mul3A_67 = vector.broadcast %mul3A_66 : f32 to vector<512x128xf32>
      %mul3A_68 = arith.mulf %div3A_63, %mul3A_67 : vector<512x128xf32>
      %add3A_69 = arith.constant -0.138703942 : f32
      %add3A_70 = vector.broadcast %add3A_69 : f32 to vector<512x128xf32>
      %add3A_71 = arith.addf %mul3A_68, %add3A_70 : vector<512x128xf32>
      %mul3A_72 = arith.mulf %add3A_71, %div3A_63 : vector<512x128xf32>
      %add3A_73 = arith.constant 0.368742466 : f32
      %add3A_74 = vector.broadcast %add3A_73 : f32 to vector<512x128xf32>
      %add3A_75 = arith.addf %mul3A_72, %add3A_74 : vector<512x128xf32>
      %mul3A_76 = arith.mulf %add3A_75, %div3A_63 : vector<512x128xf32>
      %add3A_77 = arith.constant -0.582473278 : f32
      %add3A_78 = vector.broadcast %add3A_77 : f32 to vector<512x128xf32>
      %add3A_79 = arith.addf %mul3A_76, %add3A_78 : vector<512x128xf32>
      %mul3A_80 = arith.mulf %add3A_79, %div3A_63 : vector<512x128xf32>
      %add3A_81 = arith.constant 0.621000468 : f32
      %add3A_82 = vector.broadcast %add3A_81 : f32 to vector<512x128xf32>
      %add3A_83 = arith.addf %mul3A_80, %add3A_82 : vector<512x128xf32>
      %mul3A_84 = arith.mulf %add3A_83, %div3A_63 : vector<512x128xf32>
      %add3A_85 = arith.constant -0.494451523 : f32
      %add3A_86 = vector.broadcast %add3A_85 : f32 to vector<512x128xf32>
      %add3A_87 = arith.addf %mul3A_84, %add3A_86 : vector<512x128xf32>
      %mul3A_88 = arith.mulf %add3A_87, %div3A_63 : vector<512x128xf32>
      %add3A_89 = arith.constant 3.404880e-01 : f32
      %add3A_90 = vector.broadcast %add3A_89 : f32 to vector<512x128xf32>
      %add3A_91 = arith.addf %mul3A_88, %add3A_90 : vector<512x128xf32>
      %mul3A_92 = arith.mulf %add3A_91, %div3A_63 : vector<512x128xf32>
      %add3A_93 = arith.constant -0.274112701 : f32
      %add3A_94 = vector.broadcast %add3A_93 : f32 to vector<512x128xf32>
      %add3A_95 = arith.addf %mul3A_92, %add3A_94 : vector<512x128xf32>
      %mul3A_96 = arith.mulf %add3A_95, %div3A_63 : vector<512x128xf32>
      %add3A_97 = arith.constant 0.563825965 : f32
      %add3A_98 = vector.broadcast %add3A_97 : f32 to vector<512x128xf32>
      %add3A_99 = arith.addf %mul3A_96, %add3A_98 : vector<512x128xf32>
      %mul3A_100 = arith.constant -10.477664 : f32
      %mul3A_101 = vector.broadcast %mul3A_100 : f32 to vector<512x128xf32>
      %mul3A_102 = arith.mulf %div3A_63, %mul3A_101 : vector<512x128xf32>
      %add3A_103 = arith.constant 1.297720e+01 : f32
      %add3A_104 = vector.broadcast %add3A_103 : f32 to vector<512x128xf32>
      %add3A_105 = arith.addf %mul3A_102, %add3A_104 : vector<512x128xf32>
      %mul3A_106 = arith.mulf %add3A_105, %div3A_63 : vector<512x128xf32>
      %add3A_107 = arith.constant -7.49551868 : f32
      %add3A_108 = vector.broadcast %add3A_107 : f32 to vector<512x128xf32>
      %add3A_109 = arith.addf %mul3A_106, %add3A_108 : vector<512x128xf32>
      %mul3A_110 = arith.mulf %add3A_109, %div3A_63 : vector<512x128xf32>
      %add3A_111 = arith.constant 2.92101908 : f32
      %add3A_112 = vector.broadcast %add3A_111 : f32 to vector<512x128xf32>
      %add3A_113 = arith.addf %mul3A_110, %add3A_112 : vector<512x128xf32>
      %mul3A_114 = arith.mulf %add3A_113, %div3A_63 : vector<512x128xf32>
      %add3A_115 = arith.constant -1.01526523 : f32
      %add3A_116 = vector.broadcast %add3A_115 : f32 to vector<512x128xf32>
      %add3A_117 = arith.addf %mul3A_114, %add3A_116 : vector<512x128xf32>
      %mul3A_118 = arith.mulf %add3A_117, %div3A_63 : vector<512x128xf32>
      %add3A_119 = arith.constant 0.42184633 : f32
      %add3A_120 = vector.broadcast %add3A_119 : f32 to vector<512x128xf32>
      %add3A_121 = arith.addf %mul3A_118, %add3A_120 : vector<512x128xf32>
      %mul3A_122 = arith.mulf %add3A_121, %div3A_63 : vector<512x128xf32>
      %add3A_123 = arith.constant -0.282076746 : f32
      %add3A_124 = vector.broadcast %add3A_123 : f32 to vector<512x128xf32>
      %add3A_125 = arith.addf %mul3A_122, %add3A_124 : vector<512x128xf32>
      %mul3A_126 = arith.mulf %add3A_125, %div3A_63 : vector<512x128xf32>
      %add3A_127 = arith.constant 0.564189494 : f32
      %add3A_128 = vector.broadcast %add3A_127 : f32 to vector<512x128xf32>
      %add3A_129 = arith.addf %mul3A_126, %add3A_128 : vector<512x128xf32>
      %select_n3A = arith.select %lt3A_65, %add3A_99, %add3A_129 : vector<512x128xi1>, vector<512x128xf32>
      %neg3A = arith.constant 0.000000e+00 : f32
      %neg3A_130 = vector.broadcast %neg3A : f32 to vector<512x128xf32>
      %neg3A_131 = arith.subf %neg3A_130, %mul3A_31 : vector<512x128xf32>
      %exp3A = math.exp %neg3A_131 : vector<512x128xf32>
      %div3A_132 = arith.constant 1.000000e+00 : f32
      %div3A_133 = vector.broadcast %div3A_132 : f32 to vector<512x128xf32>
      %div3A_134 = arith.divf %div3A_133, %abs3A : vector<512x128xf32>
      %mul3A_135 = arith.mulf %exp3A, %div3A_134 : vector<512x128xf32>
      %mul3A_136 = arith.mulf %mul3A_135, %select_n3A : vector<512x128xf32>
      %neg3A_137 = arith.constant 0.000000e+00 : f32
      %neg3A_138 = vector.broadcast %neg3A_137 : f32 to vector<512x128xf32>
      %neg3A_139 = arith.subf %neg3A_138, %mul3A_31 : vector<512x128xf32>
      %lt3A_140 = arith.constant -88.7228394 : f32
      %lt3A_141 = vector.broadcast %lt3A_140 : f32 to vector<512x128xf32>
      %lt3A_142 = arith.cmpf olt, %neg3A_139, %lt3A_141 : vector<512x128xf32>
      %jit3A = arith.constant 0.000000e+00 : f32
      %broadcast_in_dim3A_143 = vector.broadcast %jit3A : f32 to vector<512x128xf32>
      %select_n3A_144 = arith.select %lt3A_142, %broadcast_in_dim3A_143, %mul3A_136 : vector<512x128xi1>, vector<512x128xf32>
      %lt3A_145 = arith.constant 1.000000e+00 : f32
      %lt3A_146 = vector.broadcast %lt3A_145 : f32 to vector<512x128xf32>
      %lt3A_147 = arith.cmpf olt, %abs3A, %lt3A_146 : vector<512x128xf32>
      %select_n3A_148 = arith.select %lt3A_147, %sub3A_60, %select_n3A_144 : vector<512x128xi1>, vector<512x128xf32>
      %gt3A = arith.constant 0.000000e+00 : f32
      %gt3A_149 = vector.broadcast %gt3A : f32 to vector<512x128xf32>
      %gt3A_150 = arith.cmpf ogt, %mul3A_30, %gt3A_149 : vector<512x128xf32>
      %sub3A_151 = arith.constant 2.000000e+00 : f32
      %sub3A_152 = vector.broadcast %sub3A_151 : f32 to vector<512x128xf32>
      %sub3A_153 = arith.subf %sub3A_152, %select_n3A_148 : vector<512x128xf32>
      %select_n3A_154 = arith.select %gt3A_150, %sub3A_153, %select_n3A_148 : vector<512x128xi1>, vector<512x128xf32>
      %erf3A = math.erf %mul3A_30 : vector<512x128xf32>
      %add3A_155 = arith.constant 1.000000e+00 : f32
      %add3A_156 = vector.broadcast %add3A_155 : f32 to vector<512x128xf32>
      %add3A_157 = arith.addf %erf3A, %add3A_156 : vector<512x128xf32>
      %abs3A_158 = math.absf %mul3A_30 : vector<512x128xf32>
      %lt3A_159 = arith.constant 0.707106769 : f32
      %lt3A_160 = vector.broadcast %lt3A_159 : f32 to vector<512x128xf32>
      %lt3A_161 = arith.cmpf olt, %abs3A_158, %lt3A_160 : vector<512x128xf32>
      %select_n3A_162 = arith.select %lt3A_161, %add3A_157, %select_n3A_154 : vector<512x128xi1>, vector<512x128xf32>
      %mul3A_163 = arith.constant 5.000000e-01 : f32
      %mul3A_164 = vector.broadcast %mul3A_163 : f32 to vector<512x128xf32>
      %mul3A_165 = arith.mulf %mul3A_164, %select_n3A_162 : vector<512x128xf32>
      %mul3A_166 = arith.mulf %div3A, %div3A : vector<512x128xf32>
      %add3A_167 = arith.constant 1.83787704 : f32
      %add3A_168 = vector.broadcast %add3A_167 : f32 to vector<512x128xf32>
      %add3A_169 = arith.addf %mul3A_166, %add3A_168 : vector<512x128xf32>
      %mul3A_170 = arith.constant -5.000000e-01 : f32
      %mul3A_171 = vector.broadcast %mul3A_170 : f32 to vector<512x128xf32>
      %mul3A_172 = arith.mulf %add3A_169, %mul3A_171 : vector<512x128xf32>
      %exp3A_173 = math.exp %mul3A_172 : vector<512x128xf32>
      %mul3A_174 = arith.mulf %sub3A_27, %mul3A_165 : vector<512x128xf32>
      %mul3A_175 = arith.mulf %get3A_26, %exp3A_173 : vector<512x128xf32>
      %add3A_176 = arith.addf %mul3A_174, %mul3A_175 : vector<512x128xf32>
      %bitcast_convert_type3A = tpu.bitcast %add3A_176 : vector<512x128xf32> -> vector<512x128xi32>
      %lt3A_177 = arith.constant 0 : i32
      %lt3A_178 = vector.broadcast %lt3A_177 : i32 to vector<512x128xi32>
      %lt3A_179 = arith.cmpi slt, %bitcast_convert_type3A, %lt3A_178 : vector<512x128xi32>
      %xor3A_180 = arith.constant 2147483647 : i32
      %xor3A_181 = vector.broadcast %xor3A_180 : i32 to vector<512x128xi32>
      %xor3A_182 = arith.xori %bitcast_convert_type3A, %xor3A_181 : vector<512x128xi32>
      %select_n3A_183 = arith.select %lt3A_179, %xor3A_182, %bitcast_convert_type3A : vector<512x128xi1>, vector<512x128xi32>
      %mul3A_184 = arith.constant 512 : i32
      %mul3A_185 = arith.muli %scan3A_17, %mul3A_184 : i32
      %swap3A_186 = arith.index_cast %mul3A_185 : i32 to index
      %swap3A_187 = arith.constant 0 : index
      %swap3A_188 = vector.load %arg2[%swap3A_186, %swap3A_187] : memref<8192x128xi32, #tpu.memory_space<vmem>>, vector<512x128xi32>
      tpu.vector_store %arg2[%swap3A_186, %swap3A_187], %select_n3A_183 {strides = array<i32>} : memref<8192x128xi32, #tpu.memory_space<vmem>>, vector<512x128xi32>,
    }
    %scan3A_9 = arith.constant 16 : i32
    %while3A = arith.constant 0 : i32
    %while3A_10 = arith.constant 0 : i32
    %while3A_11 = arith.constant 1024 : i32
    %while3A_12 = arith.constant 1048576 : i32
    %while3A_13:4 = scf.while (%while3A_17 = %while3A, %while3A_18 = %while3A_10, %while3A_19 = %while3A_11, %while3A_20 = %while3A_12) : (i32, i32, i32, i32) -> (i32, i32, i32, i32) {
      %lt3A = arith.constant 32 : i32
      %lt3A_21 = arith.cmpi slt, %while3A_17, %lt3A : i32
      %gt3A = arith.constant 256 : i32
      %gt3A_22 = arith.cmpi sgt, %while3A_20, %gt3A : i32
      %and3A = arith.andi %lt3A_21, %gt3A_22 : i1
      scf.condition(%and3A) %while3A_17, %while3A_18, %while3A_19, %while3A_20 : i32, i32, i32, i32
    } do {
    ^bb0(%while3A_17: i32, %while3A_18: i32, %while3A_19: i32, %while3A_20: i32):
      %sub3A = arith.constant 31 : i32
      %sub3A_21 = arith.subi %sub3A, %while3A_17 : i32
      %shift_left3A = arith.constant -1 : i32
      %shift_left3A_22 = arith.shli %shift_left3A, %sub3A_21 : i32
      %shift_left3A_23 = arith.constant 1 : i32
      %shift_left3A_24 = arith.shli %shift_left3A_23, %sub3A_21 : i32
      %or3A = arith.ori %while3A_18, %shift_left3A_24 : i32
      %xor3A_25 = arith.constant -2147483648 : i32
      %xor3A_26 = arith.xori %or3A, %xor3A_25 : i32
      %get3A_27 = arith.constant 0 : index
      %get3A_28 = arith.constant 0 : index
      %get3A_29 = vector.load %arg2[%get3A_27, %get3A_28] : memref<8192x128xi32, #tpu.memory_space<vmem>>, vector<8192x128xi32>
      %and3A = vector.broadcast %shift_left3A_22 : i32 to vector<8192x128xi32>
      %and3A_30 = arith.andi %get3A_29, %and3A : vector<8192x128xi32>
      %eq3A = vector.broadcast %xor3A_26 : i32 to vector<8192x128xi32>
      %eq3A_31 = arith.cmpi eq, %and3A_30, %eq3A : vector<8192x128xi32>
      %convert_element_type3A = arith.extui %eq3A_31 : vector<8192x128xi1> to vector<8192x128xi32>
      %reduce_sum3A = vector.shape_cast %convert_element_type3A : vector<8192x128xi32> to vector<1x8192x128xi32>
      %reduce_sum3A_32 = arith.constant dense<0> : vector<1xi32>
      %reduce_sum3A_33 = vector.multi_reduction <add>, %reduce_sum3A, %reduce_sum3A_32 [1, 2] : vector<1x8192x128xi32> to vector<1xi32>
      %reduce_sum3A_34 = vector.shape_cast %reduce_sum3A_33 : vector<1xi32> to vector<1x1x1xi32>
      %reduce_sum3A_35 = vector.extract %reduce_sum3A_34[0, 0, 0] : i32 from vector<1x1x1xi32>
      %ge3A = arith.cmpi sge, %reduce_sum3A_35, %while3A_19 : i32
      %add3A = arith.constant 1 : i32
      %add3A_36 = arith.addi %while3A_17, %add3A : i32
      %select_n3A = arith.select %ge3A, %or3A, %while3A_18 : i32
      %sub3A_37 = arith.subi %while3A_19, %reduce_sum3A_35 : i32
      %select_n3A_38 = arith.select %ge3A, %while3A_19, %sub3A_37 : i32
      %sub3A_39 = arith.subi %while3A_20, %reduce_sum3A_35 : i32
      %select_n3A_40 = arith.select %ge3A, %reduce_sum3A_35, %sub3A_39 : i32
      scf.yield %add3A_36, %select_n3A, %select_n3A_38, %select_n3A_40 : i32, i32, i32, i32
    }
    %xor3A = arith.constant -2147483648 : i32
    %xor3A_14 = arith.xori %while3A_13#1, %xor3A : i32
    %broadcast_in_dim3A = vector.broadcast %xor3A_14 : i32 to vector<8x128xi32>
    %swap3A = arith.constant 0 : index
    %swap3A_15 = arith.constant 0 : index
    %swap3A_16 = vector.load %arg3[%swap3A, %swap3A_15] : memref<8x128xi32, #tpu.memory_space<vmem>>, vector<8x128xi32>
    tpu.vector_store %arg3[%swap3A, %swap3A_15], %broadcast_in_dim3A {strides = array<i32>} : memref<8x128xi32, #tpu.memory_space<vmem>>, vector<8x128xi32>,
    return
  }
}

</mosaic_0001>

<sc_bundles>
// kernel: kernel.5.cloned.1.call-start
scs
__scs_entry_jumppad:
0x0: {  	(pc) =	sbr.rel $0x88, $3  }
0x1: {  	(tag) =	ssettag $0x0;
	lr =	simm.s32 $0x1  }
0x2: {  	[smem:$0x3F9F] =	sst lr;
	_ =	strace $0xD0000000  }
0x3: {  	_ = 	snop  }
0x4: {  	_ = 	snop  }
0x5: {  	_ = 	snop  }
0x6: {  	_ = 	snop  }
0x7: {  	_ = 	snop  }
__scs_overlays_trampoline_lowered:
0x8: {  	[smem:$0x3FAE] =	sst s0  }
0x9: {  	[smem:$0x3FAF] =	sst s1  }
0xa: {  	[smem:$0x3FB0] =	sst s2  }
0xb: {  	[smem:$0x3FB1] =	sst s3  }
0xc: {  	[smem:$0x3FB2] =	sst s4  }
0xd: {  	[smem:$0x3FB3] =	sst s5  }
0xe: {  	[smem:$0x3FB4] =	sst s6  }
0xf: {  	[smem:$0x3FB5] =	sst s7  }
0x10: {  	[smem:$0x3FB6] =	sst s8  }
0x11: {  	[smem:$0x3FB7] =	sst s9;
	s0 =	simm.s32 @!p0 $0x0  }
0x12: {  	s1 =	sld [smem:$0x3F9D];
	s0 =	simm.s32 @p0 $0x1  }
0x13: {  	[smem:$0x3FB8] =	sst s0;
	s0 =	simm.s32 @!p1 $0x0  }
0x14: {  	s2 =	sld [smem:$0x3F9C];
	s0 =	simm.s32 @p1 $0x1  }
0x15: {  	[smem:$0x3FB9] =	sst s0;
	s0 =	simm.s32 @!p2 $0x0  }
0x16: {  	s3 =	sld [smem:$0x3FDB];
	s0 =	simm.s32 @p2 $0x1  }
0x17: {  	s4 =	simm.s32 $0x1BF5;
	[smem:$0x3FBB] =	sst s0  }
0x18: {  	s0 =	sld [smem:$0x3F9E];
	_ =	swait.ge [sflag:s4], $0x0  }
0x19: {  	s7 =	sld [smem:$0x3F9F]  }
0x1a: {  	s8 =	sadd.s32 $0xFFFFE003, lr  }
0x1b: {  	s9 =	sadd.s32 $0xFFFFFEF7, lr;
	s5 =	simm.s32 $0xFFFFFFFF;
	p2 =	slt.u32 s8, $0xFFFFF086  }
0x1c: {  	p1 =	slt.u32 s9, $0xF7A;
	s5 =	simm.s32 @!p2 $0x0  }
0x1d: {  	s5 =	simm.s32 @p1 $0x1;
	p0 =	seq.s32 s7, s2  }
0x1e: {  	s7 =	smul.u32 @!p0 $0xF7A, s2;
	p2 =	seq.s32 @!p0 s5, $0x0  }
0x1f: {  	s9 =	smul.u32 $0xF7A, s1;
	s8 =	simm.s32 @!p0 $0x1BF5;
	p2 =	por !p2, p0  }
0x20: {  	[sflag:s8] =	ssyncset.s32 @!p0 $0xFFFFF086;
	s6 =	sadd.s32 @!p0 s3, s7;
	s7 =	simm.s32 @!p0 $0x108  }
0x21: {  	s3 =	sadd.s32 s3, s9;
	s6 =	sadd.s32 @!p0 $0x88, s6;
	s7 =	simm.s32 @p2 $0x1082  }
0x22: {  	[simem:s7], [sflag:s8] =	dma.local @!p0 [hbm:s6], $0xF7A  }
0x23: {  	s9 =	sor.u32 $0xD0000000, s2;
	s6 =	simm.s32 $0x108;
	_ =	swait.ge @!p0 [sflag:s8], $0x0  }
0x24: {  	s3 =	sadd.s32 $0x88, s3;
	s6 =	simm.s32 @!p1 $0x1082;
	[sflag:s4] =	ssyncset.s32 $0xFFFFF086  }
0x25: {  	[simem:s6], [sflag:s4] =	dma.local [hbm:s3], $0xF7A  }
0x26: {  	[smem:$0x3F9F] =	sst s1;
	(tag) =	ssettag s2;
	_ =	strace s9  }
0x27: {  	s1 =	sld [smem:$0x3FAF]  }
0x28: {  	s2 =	sld [smem:$0x3FB0]  }
0x29: {  	s4 =	sld [smem:$0x3FB2]  }
0x2a: {  	p0 =	seq.s32 s5, $0x0;
	s5 =	sld [smem:$0x3FB3]  }
0x2b: {  	s6 =	sld [smem:$0x3FB4]  }
0x2c: {  	s7 =	sld [smem:$0x3FB5]  }
0x2d: {  	s3 =	simm.s32 $0x108;
	s8 =	sld [smem:$0x3FB6]  }
0x2e: {  	s3 =	simm.s32 @!p0 $0x1082;
	s9 =	sld [smem:$0x3FB7]  }
0x2f: {  	lr =	sadd.s32 s0, s3;
	s0 =	sld [smem:$0x3FAE]  }
0x30: {  	s3 =	sld [smem:$0x3FB1]  }
0x31: {  	[smem:$0x3FBA] =	sst s10  }
0x32: {  	s10 =	sld [smem:$0x3FB8];
	_ =	sdelay $0x3  }
0x33: {  	p0 =	seq.s32 s10, $0x1;
	s10 =	sld [smem:$0x3FBA];
	_ =	sdelay $0x3  }
0x34: {  	[smem:$0x3FBA] =	sst s10  }
0x35: {  	s10 =	sld [smem:$0x3FB9];
	_ =	sdelay $0x3  }
0x36: {  	p1 =	seq.s32 s10, $0x1;
	s10 =	sld [smem:$0x3FBA];
	_ =	sdelay $0x3  }
0x37: {  	[smem:$0x3FBA] =	sst s10  }
0x38: {  	s10 =	sld [smem:$0x3FBB]  }
0x39: {  	_ = 	snop;
	(pc) =	sbr.ind lr, $3  }
0x3a: {  	_ = 	snop  }
0x3b: {  	_ = 	snop  }
0x3c: {  	p2 =	seq.s32 s10, $0x1;
	s10 =	sld [smem:$0x3FBA]  }
0x3d: {  	_ =	shalt  }
0x3e: {  	_ =	shalt  }
0x3f: {  	_ =	shalt  }
0x40: {  	_ =	shalt  }
0x41: {  	_ =	shalt  }
0x42: {  	_ =	shalt  }
0x43: {  	_ =	shalt  }
0x44: {  	_ =	shalt  }
0x45: {  	_ =	shalt  }
0x46: {  	_ =	shalt  }
0x47: {  	_ =	shalt  }
0x48: {  	_ =	shalt  }
0x49: {  	_ =	shalt  }
0x4a: {  	_ =	shalt  }
0x4b: {  	_ =	shalt  }
0x4c: {  	_ =	shalt  }
0x4d: {  	_ =	shalt  }
0x4e: {  	_ =	shalt  }
0x4f: {  	_ =	shalt  }
0x50: {  	_ =	shalt  }
0x51: {  	_ =	shalt  }
0x52: {  	_ =	shalt  }
0x53: {  	_ =	shalt  }
0x54: {  	_ =	shalt  }
0x55: {  	_ =	shalt  }
0x56: {  	_ =	shalt  }
0x57: {  	_ =	shalt  }
0x58: {  	_ =	shalt  }
0x59: {  	_ =	shalt  }
0x5a: {  	_ =	shalt  }
0x5b: {  	_ =	shalt  }
0x5c: {  	_ =	shalt  }
0x5d: {  	_ =	shalt  }
0x5e: {  	_ =	shalt  }
0x5f: {  	_ =	shalt  }
0x60: {  	_ =	shalt  }
0x61: {  	_ =	shalt  }
0x62: {  	_ =	shalt  }
0x63: {  	_ =	shalt  }
0x64: {  	_ =	shalt  }
0x65: {  	_ =	shalt  }
0x66: {  	_ =	shalt  }
0x67: {  	_ =	shalt  }
0x68: {  	_ =	shalt  }
0x69: {  	_ =	shalt  }
0x6a: {  	_ =	shalt  }
0x6b: {  	_ =	shalt  }
0x6c: {  	_ =	shalt  }
0x6d: {  	_ =	shalt  }
0x6e: {  	_ =	shalt  }
0x6f: {  	_ =	shalt  }
0x70: {  	_ =	shalt  }
0x71: {  	_ =	shalt  }
0x72: {  	_ =	shalt  }
0x73: {  	_ =	shalt  }
0x74: {  	_ =	shalt  }
0x75: {  	_ =	shalt  }
0x76: {  	_ =	shalt  }
0x77: {  	_ =	shalt  }
0x78: {  	_ =	shalt  }
0x79: {  	_ =	shalt  }
0x7a: {  	_ =	shalt  }
0x7b: {  	_ =	shalt  }
0x7c: {  	_ =	shalt  }
0x7d: {  	_ =	shalt  }
0x7e: {  	_ =	shalt  }
0x7f: {  	_ =	shalt  }
0x80: {  	_ =	shalt  }
0x81: {  	_ =	shalt  }
0x82: {  	_ =	shalt  }
0x83: {  	_ =	shalt  }
0x84: {  	_ =	shalt  }
0x85: {  	_ =	shalt  }
0x86: {  	_ =	shalt  }
0x87: {  	_ =	shalt  }
.Lfunc_end0:
.L_simem_size_0:
called_computation_lowered:
.L_overlay_start_0:
0x88: {  	s2 =	sld [smem:$0x3FD9]  }
0x89: {  	s3 =	sld [smem:$0x3FFE];
	_ =	sdelay $0x1  }
0x8a: {  	s1 =	srdreg.scid  }
0x8b: {  	s0 =	sand.u32 $0x1, s1  }
0x8c: {  	s17 =	sshll.u32 s0, $0xA;
	s2 =	sadd.s32 s3, s2  }
0x8d: {  	s2 =	sadd.s32 s2, s17  }
0x8e: {  	[smem:$0x3FC6] =	sst s2  }
0x8f: {  	_ = 	snop  }
0x90: {  	s2 =	sld [smem:$0x3FD0];
	(tm) =	ssettm $0x1  }
0x91: {  	s18 =	sld [smem:$0x3FFB];
	_ =	sdelay $0x3  }
0x92: {  	_ =	strace s18  }
0x93: {  	s3 =	sld [smem:$0x3FFC];
	_ =	sdelay $0x3  }
0x94: {  	_ =	strace s3  }
0x95: {  	s3 =	sld [smem:$0x3FFD];
	_ =	sdelay $0x3  }
0x96: {  	_ =	strace s3  }
0x97: {  	_ =	strace $0x8FFFFFFF  }
0x98: {  	s19 =	sld [smem:$0x3FDB];
	_ =	sdelay $0x1  }
0x99: {  	s4 =	simm.s32 $_scs_section_size  }
0x9a: {  	s5 =	simm.s32 $_size__tile_overlayer_lowered;
	s6 =	simm.s32 $_tile_overlayer_lowered  }
0x9b: {  	s22 =	simm.s32 $0x1BFF;
	s21 =	sshll.u32 s6, $0x1;
	s3 =	sadd.s32 s4, s19  }
0x9c: {  	s7 =	simm.s32 $0x0;
	s20 =	sshll.u32 s5, $0x1;
	s5 =	sadd.s32 s21, s3  }
0x9d: {  	[timem:s7], [sflag:s22] =	dma.local [hbm:s5], s20  }
0x9e: {  	_ =	swait.ge [sflag:s22], s20  }
0x9f: {  	s4 =	ssub.s32 $0x0, s20;
	[sflag:s22] =	ssyncset.done $0x0  }
0xa0: {  	[sflag:s22] =	ssyncadd.s32 s4;
	_ =	sdelay $0x1  }
0xa1: {  	s23 =	simm.s32 $0x1B8B  }
0xa2: {  	_ =	swait.ge [sflag:s23], $0x1  }
0xa3: {  	[sflag:s23] =	ssyncset.done $0x0  }
0xa4: {  	s25 =	simm.s32 $0x1B8E;
	s24 =	sld [smem:$0x3FFE];
	[sflag:s23] =	ssyncadd.s32 $0xFFFFFFFF  }
0xa5: {  	s26 =	simm.s32 $execute0_lowered;
	[smem:$0x3FD2] =	sst s25  }
0xa6: {  	s5 =	sshll.u32 s26, $0x1;
	_ =	strace $0x80000046;
	[dreg:$0x1] =	wrdreg $0xFFFFFFFF  }
0xa7: {  	s28 =	simm.s32 $_size_execute0_lowered;
	s3 =	sadd.s32 s3, s5;
	[dreg:$0x0] =	wrdreg $0x0  }
0xa8: {  	s5 =	sshll.u32 s28, $0x1;
	[dreg:$0x2] =	wrdreg s3  }
0xa9: {  	[dreg:$0x3] =	wrdreg s5  }
0xaa: {  	[dreg:$0x4] =	wrdreg $0xC0  }
0xab: {  	_ =	task [dreg:s7], $0x5FFFF  }
0xac: {  	[dreg:$0x1] =	wrdreg $0xFFFFFFFF  }
0xad: {  	[dreg:$0x0] =	wrdreg $0x60  }
0xae: {  	[dreg:$0x2] =	wrdreg s24  }
0xaf: {  	[dreg:$0x3] =	wrdreg s2  }
0xb0: {  	[dreg:$0x4] =	wrdreg $0x9  }
0xb1: {  	_ =	task.clear_ibuf [dreg:s7], $0x5FFFF;
	_ =	strace $0x90000046  }
0xb2: {  	s29 =	simm.s32 $0x9;
	_ =	strace $0x80000048  }
0xb3: {  	_ =	swait.ge [sflag:s29], $0x1  }
0xb4: {  	[sflag:s29] =	ssyncadd.s32 $0xFFFFFFFF  }
0xb5: {  	_ =	strace $0x90000048  }
0xb6: {  	_ =	sfence  }
0xb7: {  	s30 =	sld [smem:$0x0];
	_ =	sdelay $0x2  }
0xb8: {  	s31 =	sshll.u32 s1, $0xD;
	s1 =	sshrl.u32 s1, $0x2  }
0xb9: {  	s3 =	sand.u32 $0x4000, s31;
	s1 =	sadd.s32 s1, s30  }
0xba: {  	s0 =	sor.u32 s3, s0;
	s1 =	sshll.u32 s1, $0x11  }
0xbb: {  	s0 =	sor.u32 s1, s0  }
0xbc: {  	s0 =	sadd.s32 $0x8F2B, s0  }
0xbd: {  	[sflag:s0] =	ssyncadd.remote.s32 $0x1  }
0xbe: {  	_ =	sfence.sel $0xFFFF  }
0xbf: {  	[dreg:$0x0] =	wrdreg $0xFFFFFFFF;
	(pc) =	sbr.abs _section_cstart, $3  }
0xc0: {  	[dreg:$0x1] =	wrdreg $0xFFFFFFFF  }
0xc1: {  	_ =	task.clear_ibuf [dreg:s7], $0x2FFFF;
	_ =	strace $0x9FFFFFFF  }
0xc2: {  	(tm) =	ssettm $0x7FFFFFFF  }
0xc3: {  	_ =	shalt  }
tec
execute0_lowered:
.L_overlay_start_1:
0x0: {  	(tag) =	ssettag $0x1  }
0x1: {  	s0 =	srdreg.scid;
	s4 =	rddreg [dreg:$0x0]  }
0x2: {  	s2 =	rddreg [dreg:$0x1];
	s1 =	stileid.u32  }
0x3: {  	s3 =	simm.s32 $0x0;
	s10 =	simm.s32 $0x8100;
	s11 =	simm.s32 $0x8000  }
0x4: {  	s12 =	simm.s32 $0x8080;
	s8 =	sand.u32 $0x1, s0;
	s0 =	rddreg [dreg:$0x2]  }
0x5: {  	s13 =	simm.s32 $0x0;
	[smem:$0x7FF] =	sst s3;
	s31 =	sshll.u32 s1, $0xF  }
0x6: {  	s5 =	sshll.u32 s8, $0x4;
	s7 =	ssub.s32 $0x2, s8;
	_ =	strace $0x80000047  }
.Ltmp0:
0x7: {  	s8 =	sshll.u32 s8, $0x13;
	s5 =	sor.u32 s1, s5;
	(pc) =	sbr.rel .LBB2_1-.Ltmp0, $4  }
0x8: {  	s9 =	sshrl.u32 s7, $0x1;
	s8 =	sor.u32 s31, s8;
	s6 =	smul.u32 $0xC, s5  }
0x9: {  	s5 =	sshll.u32 s5, $0xC;
	s7 =	ssub.s32 s7, s9;
	s9 =	simm.s32 $0x1  }
0xa: {  	s5 =	sadd.s32 s5, s4;
	s7 =	smax.u32 s7, $0x1;
	s6 =	sadd.s32 s6, s4  }
0xb: {  	v0 =	vimm.s32 $0x80000000;
	v1 =	vimm.s32 $0x0;
	v2 =	vlaneseq.u32;
	s4 =	sadd.s32 $0x1200, s5;
	s5 =	sadd.s32 $0x21200, s6;
	s6 =	sadd.s32 $0x21400, s6  }
.LBB2_5:
0xc: {  	[hbm4b:s5+s3] =	stream.linear.scatter [tilespmem:s11], [sflag:$0x1], $0x60, $0x38;
	[tilespmem:$0x8180] =	vst v63  }
0xd: {  	s13 =	sadd.s32 $0x1, s13;
	_ =	swait.ge [sflag:s9], $0x60  }
0xe: {  	p0 =	sne.s32 s13, s7;
	[sflag:s9] =	ssyncset.done $0x0  }
.Ltmp1:
0xf: {  	[sflag:s9] =	ssyncadd.s32 $0xFFFFFFA0;
	(pc) =	sbr.rel @!p0 .LBB2_6-.Ltmp1, $4  }
0x10: {  	[hbm4b:s6+s3] =	stream.linear.scatter [tilespmem:s12], [sflag:$0x1], $0x60, $0x38;
	[tilespmem:$0x8180] =	vst v63  }
0x11: {  	_ =	swait.ge [sflag:s9], $0x60  }
0x12: {  	[sflag:s9] =	ssyncset.done $0x0  }
0x13: {  	[sflag:s9] =	ssyncadd.s32 $0xFFFFFFA0  }
.LBB2_1:
0x14: {  	[tilespmem:s3], [sflag:$0x1] =	stream.linear.gather [hbm4b:s4+s3], $0x8000, $0x38;
	[tilespmem:$0x8180] =	vst v63  }
0x15: {  	_ =	swait.ge [sflag:s9], $0x8000  }
0x16: {  	[sflag:s9] =	ssyncset.done $0x0  }
0x17: {  	[sflag:s9] =	ssyncadd.s32 $0xFFFF8000  }
0x18: {  	[tilespmem:s10], [sflag:$0x1] =	stream.linear.gather [hbm4b:s2+s3], $0x80, $0x38;
	[tilespmem:$0x8180] =	vst v63  }
0x19: {  	_ =	swait.ge [sflag:s9], $0x80  }
0x1a: {  	[sflag:s9] =	ssyncset.done $0x0  }
0x1b: {  	[sflag:s9] =	ssyncadd.s32 $0xFFFFFF80  }
0x1c: {  	[tilespmem:$0x8000] =	vst v0  }
0x1d: {  	[tilespmem:$0x8080] =	vst v1  }
0x1e: {  	[tilespmem:$0x8010] =	vst v0  }
0x1f: {  	[tilespmem:$0x8090] =	vst v1  }
0x20: {  	[tilespmem:$0x8020] =	vst v0  }
0x21: {  	[tilespmem:$0x80A0] =	vst v1  }
0x22: {  	[tilespmem:$0x8030] =	vst v0  }
0x23: {  	[tilespmem:$0x80B0] =	vst v1  }
0x24: {  	[tilespmem:$0x8040] =	vst v0  }
.Ltmp2:
0x25: {  	[tilespmem:$0x80C0] =	vst v1;
	(pc) =	sbr.rel .LBB2_2-.Ltmp2, $4  }
0x26: {  	[tilespmem:$0x8050] =	vst v0  }
0x27: {  	[tilespmem:$0x80D0] =	vst v1  }
0x28: {  	[tilespmem:$0x8060] =	vst v0  }
0x29: {  	s14 =	simm.s32 $0x40;
	s15 =	simm.s32 $0x0;
	s16 =	simm.s32 $0x0;
	v3 =	vld [tilespmem:$0x8100];
	[tilespmem:$0x80E0] =	vst v1  }
.LBB2_4:
0x2a: {  	s15 =	sadd.s32 $0x80, s15  }
0x2b: {  	p0 =	sne.s32 s15, $0x8000  }
.Ltmp3:
0x2c: {  	_ = 	snop;
	(pc) =	sbr.rel @!p0 .LBB2_5-.Ltmp3, $2  }
0x2d: {  	_ =	sdelay $0x2  }
0x2e: {  	s14 =	sadd.s32 $0x80, s14  }
.LBB2_2:
0x2f: {  	v11 =	vld [tilespmem:s14+$0xFFFFFFC0]  }
0x30: {  	v10 =	vld [tilespmem:s14+$0xFFFFFFD0]  }
0x31: {  	v9 =	vld [tilespmem:s14+$0xFFFFFFE0]  }
0x32: {  	v8 =	vld [tilespmem:s14+$0xFFFFFFF0]  }
0x33: {  	v7 =	vld [tilespmem:s14+$0x0]  }
0x34: {  	v6 =	vld [tilespmem:s14+$0x10]  }
0x35: {  	v5 =	vld [tilespmem:s14+$0x20];
	vm7 =	vge.s32 v11, v3;
	vm6 =	vge.s32 v10, v3  }
0x36: {  	v4 =	vld [tilespmem:s14+$0x30];
	vm5 =	vge.s32 v9, v3;
	vm0 =	vmor vm7, vm6  }
0x37: {  	vm4 =	vge.s32 v8, v3;
	vm0 =	vmor vm0, vm5  }
0x38: {  	vm3 =	vge.s32 v7, v3;
	vm0 =	vmor vm0, vm4  }
0x39: {  	vm2 =	vge.s32 v6, v3;
	vm0 =	vmor vm0, vm3  }
0x3a: {  	vm1 =	vge.s32 v5, v3;
	vm8 =	vmor vm0, vm2  }
0x3b: {  	vm0 =	vge.s32 v4, v3;
	vm8 =	vmor vm8, vm1  }
0x3c: {  	vm8 =	vmor vm8, vm0  }
0x3d: {  	v12 =	vsel vm8, $0x1, v1  }
0x3e: {  	(xrf0) =	vadd.scan.msk.s32 $0xffff, v12;
	_ =	sdelay $0x5  }
0x3f: {  	v12, _, _ =	vpop (xrf0)  }
0x40: {  	(v2sf) =	vpush v12, $0xF;
	_ =	sdelay $0xe  }
0x41: {  	s17 =	spop (v2sf)  }
0x42: {  	p0 =	slt.s32 s17, $0x1  }
.Ltmp4:
0x43: {  	_ = 	snop;
	(pc) =	sbr.rel @p0 .LBB2_4-.Ltmp4, $1  }
0x44: {  	_ =	sdelay $0x3  }
0x45: {  	v12 =	vsel vm7, $0x1, v1  }
0x46: {  	(xrf0) =	vadd.scan.msk.s32 $0xffff, v12  }
0x47: {  	v43 =	vsel vm6, $0x1, v1  }
0x48: {  	(xrf0) =	vadd.scan.msk.s32 $0xffff, v43  }
0x49: {  	v44 =	vsel vm5, $0x1, v1  }
0x4a: {  	(xrf0) =	vadd.scan.msk.s32 $0xffff, v44  }
0x4b: {  	v45 =	vsel vm4, $0x1, v1  }
0x4c: {  	v13, _, _ =	vpop (xrf0);
	(xrf0) =	vadd.scan.msk.s32 $0xffff, v45  }
0x4d: {  	v46 =	vsel vm3, $0x1, v1;
	(v2sf) =	vpush v13, $0xF  }
0x4e: {  	v47, _, _ =	vpop (xrf0);
	(xrf0) =	vadd.scan.msk.s32 $0xffff, v46  }
0x4f: {  	v48 =	vsel vm2, $0x1, v1;
	(v2sf) =	vpush v47, $0xF  }
0x50: {  	v49, _, _ =	vpop (xrf0);
	(xrf0) =	vadd.scan.msk.s32 $0xffff, v48  }
0x51: {  	v50 =	vsel vm1, $0x1, v1;
	(v2sf) =	vpush v49, $0xF  }
0x52: {  	v51, _, _ =	vpop (xrf0);
	(xrf0) =	vadd.scan.msk.s32 $0xffff, v50  }
0x53: {  	v52 =	vsel vm0, $0x1, v1;
	(v2sf) =	vpush v51, $0xF  }
0x54: {  	v53, _, _ =	vpop (xrf0);
	(xrf0) =	vadd.scan.msk.s32 $0xffff, v52  }
0x55: {  	(v2sf) =	vpush v53, $0xF  }
0x56: {  	v54, _, _ =	vpop (xrf0)  }
0x57: {  	(v2sf) =	vpush v54, $0xF  }
0x58: {  	v55, _, _ =	vpop (xrf0)  }
0x59: {  	(v2sf) =	vpush v55, $0xF  }
0x5a: {  	v56, _, _ =	vpop (xrf0)  }
0x5b: {  	(v2sf) =	vpush v56, $0xF  }
0x5c: {  	p0 =	slt.s32 s16, $0x60;
	s17 =	spop (v2sf)  }
0x5d: {  	s19 =	sadd.s32 s15, s8;
	s17 =	sadd.s32 s16, s17;
	s16 =	simm.s32 @!p0 $0x60  }
0x5e: {  	v57 =	vor.u32 s19, v2;
	s18 =	spop (v2sf);
	[tilespmem:s16+$0x8000] =	vst.msk vm7, v11;
	p0 =	slt.s32 s17, $0x60  }
0x5f: {  	s30 =	sadd.s32 $0x10, s19;
	s18 =	sadd.s32 s18, s17;
	[tilespmem:s16+$0x8080] =	vst.msk vm7, v57;
	s17 =	simm.s32 @!p0 $0x60  }
0x60: {  	v58 =	vor.u32 s30, v2;
	s20 =	spop (v2sf);
	p0 =	slt.s32 s18, $0x60;
	[tilespmem:s17+$0x8000] =	vst.msk vm6, v10  }
0x61: {  	s21 =	sadd.s32 $0x20, s19;
	s16 =	sadd.s32 s20, s18;
	s18 =	simm.s32 @!p0 $0x60;
	[tilespmem:s17+$0x8080] =	vst.msk vm6, v58  }
0x62: {  	v59 =	vor.u32 s21, v2;
	p0 =	slt.s32 s16, $0x60;
	s31 =	spop (v2sf);
	[tilespmem:s18+$0x8000] =	vst.msk vm5, v9  }
0x63: {  	s23 =	sadd.s32 $0x30, s19;
	s17 =	sadd.s32 s31, s16;
	[tilespmem:s18+$0x8080] =	vst.msk vm5, v59;
	s16 =	simm.s32 @!p0 $0x60  }
0x64: {  	v60 =	vor.u32 s23, v2;
	s22 =	spop (v2sf);
	[tilespmem:s16+$0x8000] =	vst.msk vm4, v8;
	p0 =	slt.s32 s17, $0x60  }
0x65: {  	s25 =	sadd.s32 $0x40, s19;
	s18 =	sadd.s32 s22, s17;
	[tilespmem:s16+$0x8080] =	vst.msk vm4, v60;
	s17 =	simm.s32 @!p0 $0x60  }
0x66: {  	v61 =	vor.u32 s25, v2;
	s24 =	spop (v2sf);
	p0 =	slt.s32 s18, $0x60;
	[tilespmem:s17+$0x8000] =	vst.msk vm3, v7  }
0x67: {  	s28 =	sadd.s32 $0x50, s19;
	s20 =	sadd.s32 s24, s18;
	s18 =	simm.s32 @!p0 $0x60;
	[tilespmem:s17+$0x8080] =	vst.msk vm3, v61  }
0x68: {  	s29 =	sadd.s32 $0x60, s19;
	v62 =	vor.u32 s28, v2;
	p0 =	slt.s32 s20, $0x60;
	s26 =	spop (v2sf);
	[tilespmem:s18+$0x8000] =	vst.msk vm2, v6  }
.Ltmp5:
0x69: {  	s17 =	sadd.s32 s26, s20;
	[tilespmem:s18+$0x8080] =	vst.msk vm2, v62;
	s20 =	simm.s32 @!p0 $0x60;
	(pc) =	sbr.rel .LBB2_4-.Ltmp5, $4  }
0x6a: {  	v63 =	vor.u32 s29, v2;
	s30 =	spop (v2sf);
	[tilespmem:s20+$0x8000] =	vst.msk vm1, v5;
	p0 =	slt.s32 s17, $0x60  }
0x6b: {  	s31 =	sadd.s32 $0x70, s19;
	s16 =	sadd.s32 s30, s17;
	[tilespmem:s20+$0x8080] =	vst.msk vm1, v63;
	s17 =	simm.s32 @!p0 $0x60  }
0x6c: {  	v5 =	vor.u32 s31, v2;
	[tilespmem:s17+$0x8000] =	vst.msk vm0, v4  }
0x6d: {  	[tilespmem:s17+$0x8080] =	vst.msk vm0, v5  }
.LBB2_6:
0x6e: {  	_ =	sfence.sel $0x180000  }
0x6f: {  	[bflag:$0x0] =	sbarrier.arrive $0xFFFF  }
0x70: {  	p0 =	sne.s32 s1, $0x0;
	_ =	strace $0x90000047  }
0x71: {  	s0 =	sadd.s32 @!p0 $0x100000, s0;
	[bflag:$0x2] =	sbarrier.arrive $0xFFFF  }
0x72: {  	[sflag:s0] =	ssyncadd.tile.s32 @!p0 $0x1;
	_ =	shalt  }
.Lfunc_end2:
_tile_overlayer_lowered:
.L_overlay_start_2:
0x73: {  	(tag) =	ssettag $0x2  }
0x74: {  	s0 =	rddreg [dreg:$0x0];
	s2 =	stileid.u32  }
0x75: {  	s1 =	rddreg [dreg:$0x1];
	p0 =	sne.s32 s2, $0x0  }
0x76: {  	s3 =	rddreg [dreg:$0x2];
	[bflag:$0x3] =	sbarrier.arrive $0xFFFF;
	s2 =	simm.s32 @!p0 $0x1C01  }
0x77: {  	[timem:s3], [sflag:s2] =	dma.local @!p0 [hbm:s0], s1  }
0x78: {  	s0 =	simm.s32 @!p0 $0x1  }
0x79: {  	_ =	swait.ge @!p0 [sflag:s0], s1  }
0x7a: {  	s1 =	ssub.s32 @!p0 $0x0, s1;
	[sflag:s0] =	ssyncset.done @!p0 $0x0  }
0x7b: {  	[sflag:s0] =	ssyncadd.s32 @!p0 s1  }
0x7c: {  	[bflag:$0x3] =	sbarrier.arrive $0xFFFF  }
0x7d: {  	_ =	shalt  }

</sc_bundles>
